<compile_context>
chip_gen: v7x
topology: tpu7x:2x2x1
jax: 0.10.2.dev20260603
libtpu: 0.0.44.dev20260713+nightly
codegen_flags: <defaults>
</compile_context>

<pallas_src>
import functools
import numpy as np
import jax
import jax.numpy as jnp
from jax import lax
from jax.experimental import pallas as pl
from jax.experimental.pallas import tpu as pltpu
from jax.experimental.pallas import tpu_sc as plsc

N = 10000
E = 320000
D = 128
H = 4
C = 32
INV_SCALE = float(1.0 / np.sqrt(C))
EPS = 1e-5

NW = 32
E_PER_W = E // NW
CH = 80
ITERS = E_PER_W // CH
N_PER_T = 624
N_TAIL = N - 15 * N_PER_T - N_PER_T

B_NODE = 1000
B_EDGE = 1280



def _qkv_body(nf, wq, bq, wk, bk, wv, bv, q, k, v):
    x = nf[...]
    q[...] = jnp.dot(x, wq[...], preferred_element_type=jnp.float32) + bq[...]
    k[...] = jnp.dot(x, wk[...], preferred_element_type=jnp.float32) + bk[...]
    v[...] = jnp.dot(x, wv[...], preferred_element_type=jnp.float32) + bv[...]


def _edge_body(ef, qs, kd, vs, we, be, wev, bev, g, b, bd, hs, msg, y):
    x = ef[...]
    e = jnp.dot(x, we[...], preferred_element_type=jnp.float32) + be[...]
    prod = qs[...] * kd[...]
    m = (jnp.dot(prod, bd[...], preferred_element_type=jnp.float32)
         * INV_SCALE + e)
    t1 = jnp.maximum(m, pltpu.roll(m, C, 1))
    gmax = jnp.maximum(t1, pltpu.roll(t1, 2 * C, 1))
    t = jnp.exp(m - gmax)
    denom = jnp.dot(t, hs[...], preferred_element_type=jnp.float32)
    msg[...] = vs[...] * (t / denom)
    mu = jnp.mean(m, axis=1, keepdims=True)
    d0 = m - mu
    var = jnp.mean(d0 * d0, axis=1, keepdims=True)
    ln = d0 * lax.rsqrt(var + EPS) * g[...] + b[...]
    sil = ln * (1.0 / (1.0 + jnp.exp(-ln)))
    y[...] = jnp.dot(x, wev[...], preferred_element_type=jnp.float32) + bev[...] + sil


def _node_body(p, nf, wo, bo, g, b, xo):
    pp = p[...]
    agg = pp[0] + pp[1]
    mu = jnp.mean(agg, axis=1, keepdims=True)
    d0 = agg - mu
    var = jnp.mean(d0 * d0, axis=1, keepdims=True)
    ln = d0 * lax.rsqrt(var + EPS) * g[...] + b[...]
    sil = ln * (1.0 / (1.0 + jnp.exp(-ln)))
    xo[...] = (jnp.dot(nf[...], wo[...], preferred_element_type=jnp.float32)
               + bo[...] + sil)



def _row_spec(bsz):
    return pl.BlockSpec((bsz, D), lambda i: (i, 0))


_W_SPEC = pl.BlockSpec((D, D), lambda i: (0, 0))
_B_SPEC = pl.BlockSpec((1, D), lambda i: (0, 0))


def _qkv_tc(node_feats, wqt, bq, wkt, bk, wvt, bv):
    return pl.pallas_call(
        _qkv_body,
        grid=(N // B_NODE,),
        in_specs=[_row_spec(B_NODE), _W_SPEC, _B_SPEC, _W_SPEC, _B_SPEC,
                  _W_SPEC, _B_SPEC],
        out_specs=[_row_spec(B_NODE)] * 3,
        out_shape=[jax.ShapeDtypeStruct((N, D), jnp.float32)] * 3,
        compiler_params=pltpu.CompilerParams(
            dimension_semantics=("parallel",)),
    )(node_feats, wqt, bq, wkt, bk, wvt, bv)


def _edge_tc(edge_feats, qs, kd, vs, wet, be, wevt, bev, g, b, bd, hs):
    return pl.pallas_call(
        _edge_body,
        grid=(E // B_EDGE,),
        in_specs=[_row_spec(B_EDGE)] * 4 + [_W_SPEC, _B_SPEC, _W_SPEC,
                                            _B_SPEC, _B_SPEC, _B_SPEC,
                                            _W_SPEC, _W_SPEC],
        out_specs=[_row_spec(B_EDGE)] * 2,
        out_shape=[jax.ShapeDtypeStruct((E, D), jnp.float32)] * 2,
        compiler_params=pltpu.CompilerParams(
            dimension_semantics=("parallel",)),
    )(edge_feats, qs, kd, vs, wet, be, wevt, bev, g, b, bd, hs)


def _node_tc(partials, node_feats, wot, bo, g, b):
    return pl.pallas_call(
        _node_body,
        grid=(N // B_NODE,),
        in_specs=[pl.BlockSpec((2, B_NODE, D), lambda i: (0, i, 0)),
                  _row_spec(B_NODE), _W_SPEC, _B_SPEC, _B_SPEC, _B_SPEC],
        out_specs=_row_spec(B_NODE),
        out_shape=jax.ShapeDtypeStruct((N, D), jnp.float32),
        compiler_params=pltpu.CompilerParams(
            dimension_semantics=("parallel",)),
    )(partials, node_feats, wot, bo, g, b)



def _sc_gather(q, k, v, src2, dst2):
    mesh = plsc.VectorSubcoreMesh(core_axis_name="c", subcore_axis_name="s")

    @functools.partial(
        pl.kernel,
        mesh=mesh,
        out_type=[jax.ShapeDtypeStruct((E, D), jnp.float32)] * 3,
        scratch_types=[
            pltpu.VMEM((ITERS, CH), jnp.int32),
            pltpu.VMEM((ITERS, CH), jnp.int32),
            pltpu.VMEM((CH, D), jnp.float32),
            pltpu.VMEM((CH, D), jnp.float32),
            pltpu.VMEM((CH, D), jnp.float32),
            pltpu.VMEM((CH, D), jnp.float32),
            pltpu.VMEM((CH, D), jnp.float32),
            pltpu.VMEM((CH, D), jnp.float32),
            pltpu.SemaphoreType.DMA,
            pltpu.SemaphoreType.DMA,
            pltpu.SemaphoreType.DMA,
            pltpu.SemaphoreType.DMA,
            pltpu.SemaphoreType.DMA,
            pltpu.SemaphoreType.DMA,
        ],
    )
    def kfn(q_hbm, k_hbm, v_hbm, src_hbm, dst_hbm, qs_hbm, kd_hbm, vs_hbm,
            ixs, ixd, qb0, kb0, vb0, qb1, kb1, vb1,
            sq0, sk0, sv0, sq1, sk1, sv1):
        wid = lax.axis_index("s") * 2 + lax.axis_index("c")
        base = wid * E_PER_W
        pltpu.sync_copy(src_hbm.at[wid], ixs)
        pltpu.sync_copy(dst_hbm.at[wid], ixd)

        banks = ((qb0, kb0, vb0, sq0, sk0, sv0),
                 (qb1, kb1, vb1, sq1, sk1, sv1))

        def fire(c, bk):
            qb, kb, vb, sq, sk, sv = bk
            pltpu.async_copy(q_hbm.at[ixs.at[c]], qb, sq)
            pltpu.async_copy(k_hbm.at[ixd.at[c]], kb, sk)
            pltpu.async_copy(v_hbm.at[ixs.at[c]], vb, sv)

        def drain(c, bk):
            qb, kb, vb, sq, sk, sv = bk
            o = base + c * CH
            pltpu.make_async_copy(q_hbm.at[ixs.at[c]], qb, sq).wait()
            pltpu.make_async_copy(k_hbm.at[ixd.at[c]], kb, sk).wait()
            pltpu.make_async_copy(v_hbm.at[ixs.at[c]], vb, sv).wait()
            pltpu.sync_copy(qb, qs_hbm.at[pl.ds(o, CH)])
            pltpu.sync_copy(kb, kd_hbm.at[pl.ds(o, CH)])
            pltpu.sync_copy(vb, vs_hbm.at[pl.ds(o, CH)])

        fire(0, banks[0])

        def body(j, carry):
            c0 = 2 * j
            fire(c0 + 1, banks[1])
            drain(c0, banks[0])
            fire(c0 + 2, banks[0])
            drain(c0 + 1, banks[1])
            return carry

        lax.fori_loop(0, (ITERS - 1) // 2, body, 0)
        drain(ITERS - 1, banks[0])

    return kfn(q, k, v, src2, dst2)


def _sc_scatter(msg, dst2, zeros):
    mesh = plsc.VectorSubcoreMesh(core_axis_name="c", subcore_axis_name="s")

    @functools.partial(
        pl.kernel,
        mesh=mesh,
        out_type=jax.ShapeDtypeStruct((2, N, D), jnp.float32),
        scratch_types=[
            pltpu.VMEM_SHARED((N, D), jnp.float32),
            pltpu.VMEM((ITERS, CH), jnp.int32),
            pltpu.VMEM((CH, D), jnp.float32),
            pltpu.VMEM((CH, D), jnp.float32),
            pltpu.SemaphoreType.DMA,
            pltpu.SemaphoreType.DMA,
        ],
    )
    def kfn(msg_hbm, dst_hbm, zeros_hbm, out_hbm, acc, ixd, mb0, mb1,
            sm0, sm1):
        cc = lax.axis_index("c")
        ss = lax.axis_index("s")
        wid = ss * 2 + cc
        base = wid * E_PER_W
        row0 = ss * N_PER_T
        tail0 = 16 * N_PER_T
        pltpu.sync_copy(zeros_hbm.at[pl.ds(row0, N_PER_T)],
                        acc.at[pl.ds(row0, N_PER_T)])

        @pl.when(ss == 15)
        def _():
            pltpu.sync_copy(zeros_hbm.at[pl.ds(tail0, N_TAIL)],
                            acc.at[pl.ds(tail0, N_TAIL)])

        pltpu.sync_copy(dst_hbm.at[wid], ixd)
        plsc.subcore_barrier()

        def fire(c, mb, sm):
            pltpu.async_copy(msg_hbm.at[pl.ds(base + c * CH, CH)], mb, sm)

        def drain_add(c, mb, sm):
            pltpu.make_async_copy(
                msg_hbm.at[pl.ds(base + c * CH, CH)], mb, sm).wait()
            pltpu.sync_copy(mb, acc.at[ixd.at[c]], add=True)

        fire(0, mb0, sm0)

        def body(j, carry):
            c0 = 2 * j
            fire(c0 + 1, mb1, sm1)
            drain_add(c0, mb0, sm0)
            fire(c0 + 2, mb0, sm0)
            drain_add(c0 + 1, mb1, sm1)
            return carry

        lax.fori_loop(0, (ITERS - 1) // 2, body, 0)
        drain_add(ITERS - 1, mb0, sm0)
        plsc.subcore_barrier()
        pltpu.sync_copy(acc.at[pl.ds(row0, N_PER_T)],
                        out_hbm.at[cc, pl.ds(row0, N_PER_T)])

        @pl.when(ss == 15)
        def _():
            pltpu.sync_copy(acc.at[pl.ds(tail0, N_TAIL)],
                            out_hbm.at[cc, pl.ds(tail0, N_TAIL)])

    return kfn(msg, dst2, zeros)



def kernel(node_feats, edge_feats, edge_index, Wq, bq, Wk, bk, Wv, bv,
           We, be, Wev, bev, Wout, bout, g_nodes, b_nodes, g_edges, b_edges):
    src2 = edge_index[0].astype(jnp.int32).reshape(NW, ITERS, CH)
    dst2 = edge_index[1].astype(jnp.int32).reshape(NW, ITERS, CH)
    r = lambda a: a.reshape(1, D)
    q, k, v = _qkv_tc(node_feats, Wq.T, r(bq), Wk.T, r(bk), Wv.T, r(bv))
    qs, kd, vs = _sc_gather(q, k, v, src2, dst2)
    bd = jnp.kron(jnp.eye(H, dtype=jnp.float32),
                  jnp.ones((C, C), jnp.float32))
    hs = jnp.kron(jnp.ones((H, H), jnp.float32),
                  jnp.eye(C, dtype=jnp.float32))
    msg, y = _edge_tc(edge_feats, qs, kd, vs, We.T, r(be), Wev.T, r(bev),
                      r(g_edges), r(b_edges), bd, hs)
    zeros = jnp.zeros((N, D), jnp.float32)
    partials = _sc_scatter(msg, dst2, zeros)
    x = _node_tc(partials, node_feats, Wout.T, r(bout), r(g_nodes),
                 r(b_nodes))
    return (x, y)

# --- scband reference (transcript-rebuilt; emitter-appended) ---
"""Pipeline reference for scband-edge-gated-graph-conv-25082609008766 (READ-ONLY COPY).

The authoritative reference and input builder live on the scoring server;
editing this copy changes nothing except your own understanding.
"""

import jax, jax.numpy as jnp
import numpy as np

N = 10000
E = 320000
D = 128
H = 4
C = 32


def _layer_norm(x, g, b, eps=1e-5):
    mu = jnp.mean(x, axis=-1, keepdims=True)
    var = jnp.var(x, axis=-1, keepdims=True)
    return (x - mu) / jnp.sqrt(var + eps) * g + b


def setup_inputs(seed: int = 0) -> dict:
    key = jax.random.key(seed)
    ks = jax.random.split(key, 20)
    node_feats = jax.random.normal(ks[0], (N, D), dtype=jnp.float32)
    edge_feats = jax.random.normal(ks[1], (E, D), dtype=jnp.float32)
    src = jax.random.randint(ks[2], (E,), 0, N)
    dst = jax.random.randint(ks[3], (E,), 0, N)
    edge_index = jnp.stack([src, dst], axis=0)
    s = 1.0 / np.sqrt(D)
    inp = {
        'node_feats': node_feats,
        'edge_feats': edge_feats,
        'edge_index': edge_index,
    }
    names = ['q', 'k', 'v', 'e', 'ev', 'out']
    for i, nm in enumerate(names):
        inp['W' + nm] = jax.random.uniform(ks[4 + 2 * i], (D, D), jnp.float32, -s, s)
        inp['b' + nm] = jax.random.uniform(ks[5 + 2 * i], (D,), jnp.float32, -s, s)
    inp['g_nodes'] = jnp.ones((D,), jnp.float32)
    inp['b_nodes'] = jnp.zeros((D,), jnp.float32)
    inp['g_edges'] = jnp.ones((D,), jnp.float32)
    inp['b_edges'] = jnp.zeros((D,), jnp.float32)
    return inp


def reference(node_feats, edge_feats, edge_index,
              Wq, bq, Wk, bk, Wv, bv, We, be, Wev, bev, Wout, bout,
              g_nodes, b_nodes, g_edges, b_edges):
    scale = np.sqrt(C)
    src = edge_index[0]
    dst = edge_index[1]
    q = (node_feats @ Wq.T + bq).reshape(-1, H, C)
    k = (node_feats @ Wk.T + bk).reshape(-1, H, C)
    v = (node_feats @ Wv.T + bv).reshape(-1, H, C)
    e = (edge_feats @ We.T + be).reshape(-1, H, C)
    # u_dot_v('q','k','score'): per-edge dot over head dim -> [E, H, 1]
    score = jnp.sum(q[src] * k[dst], axis=-1, keepdims=True)
    m = score / scale + e  # [E, H, C]
    attn = jax.nn.softmax(m, axis=1)  # softmax over heads (dim=1)
    msg = v[src] * attn  # u_mul_e
    agg = jnp.zeros((node_feats.shape[0], H, C), dtype=msg.dtype).at[dst].add(msg)
    x = agg.reshape(-1, H * C)
    y = m.reshape(-1, H * C)
    x = jax.nn.silu(_layer_norm(x, g_nodes, b_nodes))
    y = jax.nn.silu(_layer_norm(y, g_edges, b_edges))
    x = (node_feats @ Wout.T + bout) + x
    y = (edge_feats @ Wev.T + bev) + y
    return (x, y)

if __name__ == "__main__":
    import jax
    _d = setup_inputs()
    print(jax.jit(kernel)(*tuple(_d.values())))

</pallas_src>

<mosaic_0001>
#map = affine_map<(d0, d1) -> (0, 0)>
#map1 = affine_map<(d0, d1) -> (0, 0, 0)>
module attributes {stable_mosaic.version = 14 : i64} {
  func.func @kfn(%arg0: i32, %arg1: i32, %arg2: memref<320000x128xf32, #tpu.memory_space<hbm>>, %arg3: memref<32x125x80xi32, #tpu.memory_space<hbm>>, %arg4: memref<10000x128xf32, #tpu.memory_space<hbm>>, %arg5: memref<2x10000x128xf32, #tpu.memory_space<hbm>>, %arg6: memref<10000x128xf32, #tpu.memory_space<vmem_shared>>, %arg7: memref<125x80xi32, #tpu.memory_space<vmem>>, %arg8: memref<80x128xf32, #tpu.memory_space<vmem>>, %arg9: memref<80x128xf32, #tpu.memory_space<vmem>>, %arg10: memref<!tpu.dma_semaphore, #tpu.memory_space<semaphore_mem>>, %arg11: memref<!tpu.dma_semaphore, #tpu.memory_space<semaphore_mem>>) attributes {dimension_semantics = [#tpu.dimension_semantics<core_parallel>, #tpu.dimension_semantics<subcore_parallel>], iteration_bounds = array<i64: 2, 16>, scalar_prefetch = 0 : i64, scratch_operands = 6 : i64, tpu.core_type = #tpu.core_type<sc_vector_subcore>, window_params = [{transform_indices = #map}, {transform_indices = #map1}, {transform_indices = #map}, {transform_indices = #map1}]} {
    %mul3A = arith.constant 2 : i32
    %mul3A_0 = arith.muli %arg1, %mul3A : i32
    %add3A = arith.addi %mul3A_0, %arg0 : i32
    %mul3A_1 = arith.constant 10000 : i32
    %mul3A_2 = arith.muli %add3A, %mul3A_1 : i32
    %mul3A_3 = arith.constant 624 : i32
    %mul3A_4 = arith.muli %arg1, %mul3A_3 : i32
    "tpu.region"() ({
      %run_scoped3A_28 = tpu.sem_alloc : memref<!tpu.dma_semaphore, #tpu.memory_space<semaphore_mem>>
      %dma_start3A_29 = arith.constant 0 : i32
      %dma_start3A_30 = tpu.memref_slice %arg6[%mul3A_4, %dma_start3A_29] : memref<10000x128xf32, #tpu.memory_space<vmem_shared>> -> memref<624x128xf32, #tpu.memory_space<vmem_shared>>
      %dma_start3A_31 = arith.constant 0 : i32
      %dma_start3A_32 = tpu.memref_slice %arg4[%mul3A_4, %dma_start3A_31] : memref<10000x128xf32, #tpu.memory_space<hbm>> -> memref<624x128xf32, #tpu.memory_space<hbm>>
      tpu.enqueue_dma source(%dma_start3A_32 : memref<624x128xf32, #tpu.memory_space<hbm>>) target(%dma_start3A_30 : memref<624x128xf32, #tpu.memory_space<vmem_shared>>) target_semaphore(%run_scoped3A_28 : memref<!tpu.dma_semaphore, #tpu.memory_space<semaphore_mem>>)
      %dma_wait3A_33 = arith.constant 0 : i32
      %dma_wait3A_34 = tpu.memref_slice %arg6[%mul3A_4, %dma_wait3A_33] : memref<10000x128xf32, #tpu.memory_space<vmem_shared>> -> memref<624x128xf32, #tpu.memory_space<vmem_shared>>
      %dma_wait3A_35 = arith.constant 0 : i32
      %dma_wait3A_36 = tpu.memref_slice %arg4[%mul3A_4, %dma_wait3A_35] : memref<10000x128xf32, #tpu.memory_space<hbm>> -> memref<624x128xf32, #tpu.memory_space<hbm>>
      tpu.wait_dma2 semaphore(%run_scoped3A_28 : memref<!tpu.dma_semaphore, #tpu.memory_space<semaphore_mem>>) src(%dma_wait3A_36 : memref<624x128xf32, #tpu.memory_space<hbm>>) dst(%dma_wait3A_34 : memref<624x128xf32, #tpu.memory_space<vmem_shared>>)
      tpu.yield
    }) : () -> ()
    %eq3A = arith.constant 15 : i32
    %eq3A_5 = arith.cmpi eq, %arg1, %eq3A : i32
    %convert_element_type3A = arith.extui %eq3A_5 : i1 to i32
    %cond3A = arith.constant 0 : i32
    %cond3A_6 = arith.cmpi ne, %convert_element_type3A, %cond3A : i32
    scf.if %cond3A_6 {
      "tpu.region"() ({
        %run_scoped3A_28 = tpu.sem_alloc : memref<!tpu.dma_semaphore, #tpu.memory_space<semaphore_mem>>
        %dma_start3A_29 = arith.constant 9984 : i32
        %dma_start3A_30 = arith.constant 0 : i32
        %dma_start3A_31 = tpu.memref_slice %arg6[%dma_start3A_29, %dma_start3A_30] : memref<10000x128xf32, #tpu.memory_space<vmem_shared>> -> memref<16x128xf32, #tpu.memory_space<vmem_shared>>
        %dma_start3A_32 = arith.constant 9984 : i32
        %dma_start3A_33 = arith.constant 0 : i32
        %dma_start3A_34 = tpu.memref_slice %arg4[%dma_start3A_32, %dma_start3A_33] : memref<10000x128xf32, #tpu.memory_space<hbm>> -> memref<16x128xf32, #tpu.memory_space<hbm>>
        tpu.enqueue_dma source(%dma_start3A_34 : memref<16x128xf32, #tpu.memory_space<hbm>>) target(%dma_start3A_31 : memref<16x128xf32, #tpu.memory_space<vmem_shared>>) target_semaphore(%run_scoped3A_28 : memref<!tpu.dma_semaphore, #tpu.memory_space<semaphore_mem>>)
        %dma_wait3A_35 = arith.constant 9984 : i32
        %dma_wait3A_36 = arith.constant 0 : i32
        %dma_wait3A_37 = tpu.memref_slice %arg6[%dma_wait3A_35, %dma_wait3A_36] : memref<10000x128xf32, #tpu.memory_space<vmem_shared>> -> memref<16x128xf32, #tpu.memory_space<vmem_shared>>
        %dma_wait3A_38 = arith.constant 9984 : i32
        %dma_wait3A_39 = arith.constant 0 : i32
        %dma_wait3A_40 = tpu.memref_slice %arg4[%dma_wait3A_38, %dma_wait3A_39] : memref<10000x128xf32, #tpu.memory_space<hbm>> -> memref<16x128xf32, #tpu.memory_space<hbm>>
        tpu.wait_dma2 semaphore(%run_scoped3A_28 : memref<!tpu.dma_semaphore, #tpu.memory_space<semaphore_mem>>) src(%dma_wait3A_40 : memref<16x128xf32, #tpu.memory_space<hbm>>) dst(%dma_wait3A_37 : memref<16x128xf32, #tpu.memory_space<vmem_shared>>)
        tpu.yield
      }) : () -> ()
    } else {
    }
    "tpu.region"() ({
      %run_scoped3A_28 = tpu.sem_alloc : memref<!tpu.dma_semaphore, #tpu.memory_space<semaphore_mem>>
      %dma_start3A_29 = arith.constant 0 : i32
      %dma_start3A_30 = arith.constant 0 : i32
      %dma_start3A_31 = tpu.memref_slice %arg3[%add3A, %dma_start3A_29, %dma_start3A_30] : memref<32x125x80xi32, #tpu.memory_space<hbm>> -> memref<1x125x80xi32, #tpu.memory_space<hbm>>
      %dma_start3A_32 = tpu.memref_squeeze %dma_start3A_31 : memref<1x125x80xi32, #tpu.memory_space<hbm>> -> memref<125x80xi32, #tpu.memory_space<hbm>>
      %dma_start3A_33 = arith.constant 0 : i32
      %dma_start3A_34 = arith.constant 0 : i32
      %dma_start3A_35 = tpu.memref_slice %arg3[%add3A, %dma_start3A_33, %dma_start3A_34] : memref<32x125x80xi32, #tpu.memory_space<hbm>> -> memref<1x125x80xi32, #tpu.memory_space<hbm>>
      %dma_start3A_36 = tpu.memref_squeeze %dma_start3A_35 : memref<1x125x80xi32, #tpu.memory_space<hbm>> -> memref<125x80xi32, #tpu.memory_space<hbm>>
      tpu.enqueue_dma source(%dma_start3A_36 : memref<125x80xi32, #tpu.memory_space<hbm>>) target(%arg7 : memref<125x80xi32, #tpu.memory_space<vmem>>) target_semaphore(%run_scoped3A_28 : memref<!tpu.dma_semaphore, #tpu.memory_space<semaphore_mem>>)
      %dma_wait3A_37 = arith.constant 0 : i32
      %dma_wait3A_38 = arith.constant 0 : i32
      %dma_wait3A_39 = tpu.memref_slice %arg3[%add3A, %dma_wait3A_37, %dma_wait3A_38] : memref<32x125x80xi32, #tpu.memory_space<hbm>> -> memref<1x125x80xi32, #tpu.memory_space<hbm>>
      %dma_wait3A_40 = tpu.memref_squeeze %dma_wait3A_39 : memref<1x125x80xi32, #tpu.memory_space<hbm>> -> memref<125x80xi32, #tpu.memory_space<hbm>>
      %dma_wait3A_41 = arith.constant 0 : i32
      %dma_wait3A_42 = arith.constant 0 : i32
      %dma_wait3A_43 = tpu.memref_slice %arg3[%add3A, %dma_wait3A_41, %dma_wait3A_42] : memref<32x125x80xi32, #tpu.memory_space<hbm>> -> memref<1x125x80xi32, #tpu.memory_space<hbm>>
      %dma_wait3A_44 = tpu.memref_squeeze %dma_wait3A_43 : memref<1x125x80xi32, #tpu.memory_space<hbm>> -> memref<125x80xi32, #tpu.memory_space<hbm>>
      tpu.wait_dma2 semaphore(%run_scoped3A_28 : memref<!tpu.dma_semaphore, #tpu.memory_space<semaphore_mem>>) src(%dma_wait3A_44 : memref<125x80xi32, #tpu.memory_space<hbm>>) dst(%arg7 : memref<125x80xi32, #tpu.memory_space<vmem>>)
      tpu.yield
    }) : () -> ()
    %barrier3A = arith.constant 0 : index
    tpu.barrier barrier_id(%barrier3A)
    %add3A_7 = arith.constant 0 : i32
    %add3A_8 = arith.addi %mul3A_2, %add3A_7 : i32
    %dma_start3A = arith.constant 0 : i32
    %dma_start3A_9 = tpu.memref_slice %arg2[%add3A_8, %dma_start3A] : memref<320000x128xf32, #tpu.memory_space<hbm>> -> memref<80x128xf32, #tpu.memory_space<hbm>>
    %dma_start3A_10 = arith.constant 0 : i32
    %dma_start3A_11 = tpu.memref_slice %arg2[%add3A_8, %dma_start3A_10] : memref<320000x128xf32, #tpu.memory_space<hbm>> -> memref<80x128xf32, #tpu.memory_space<hbm>>
    tpu.enqueue_dma source(%dma_start3A_11 : memref<80x128xf32, #tpu.memory_space<hbm>>) target(%arg8 : memref<80x128xf32, #tpu.memory_space<vmem>>) target_semaphore(%arg10 : memref<!tpu.dma_semaphore, #tpu.memory_space<semaphore_mem>>)
    %scan3A = arith.constant 0 : i32
    %scan3A_12 = arith.constant 0 : i32
    %scan3A_13 = arith.constant 62 : i32
    %scan3A_14 = arith.addi %scan3A_12, %scan3A_13 : i32
    %scan3A_15 = arith.constant 1 : i32
    scf.for %scan3A_28 = %scan3A_12 to %scan3A_14 step %scan3A_15  : i32 {
      %mul3A_29 = arith.constant 2 : i32
      %mul3A_30 = arith.muli %mul3A_29, %scan3A_28 : i32
      %add3A_31 = arith.constant 1 : i32
      %add3A_32 = arith.addi %mul3A_30, %add3A_31 : i32
      %mul3A_33 = arith.constant 80 : i32
      %mul3A_34 = arith.muli %add3A_32, %mul3A_33 : i32
      %add3A_35 = arith.addi %mul3A_2, %mul3A_34 : i32
      %dma_start3A_36 = arith.constant 0 : i32
      %dma_start3A_37 = tpu.memref_slice %arg2[%add3A_35, %dma_start3A_36] : memref<320000x128xf32, #tpu.memory_space<hbm>> -> memref<80x128xf32, #tpu.memory_space<hbm>>
      %dma_start3A_38 = arith.constant 0 : i32
      %dma_start3A_39 = tpu.memref_slice %arg2[%add3A_35, %dma_start3A_38] : memref<320000x128xf32, #tpu.memory_space<hbm>> -> memref<80x128xf32, #tpu.memory_space<hbm>>
      tpu.enqueue_dma source(%dma_start3A_39 : memref<80x128xf32, #tpu.memory_space<hbm>>) target(%arg9 : memref<80x128xf32, #tpu.memory_space<vmem>>) target_semaphore(%arg11 : memref<!tpu.dma_semaphore, #tpu.memory_space<semaphore_mem>>)
      %mul3A_40 = arith.constant 80 : i32
      %mul3A_41 = arith.muli %mul3A_30, %mul3A_40 : i32
      %add3A_42 = arith.addi %mul3A_2, %mul3A_41 : i32
      %dma_wait3A_43 = arith.constant 0 : i32
      %dma_wait3A_44 = tpu.memref_slice %arg2[%add3A_42, %dma_wait3A_43] : memref<320000x128xf32, #tpu.memory_space<hbm>> -> memref<80x128xf32, #tpu.memory_space<hbm>>
      %dma_wait3A_45 = arith.constant 0 : i32
      %dma_wait3A_46 = tpu.memref_slice %arg2[%add3A_42, %dma_wait3A_45] : memref<320000x128xf32, #tpu.memory_space<hbm>> -> memref<80x128xf32, #tpu.memory_space<hbm>>
      tpu.wait_dma2 semaphore(%arg10 : memref<!tpu.dma_semaphore, #tpu.memory_space<semaphore_mem>>) src(%dma_wait3A_46 : memref<80x128xf32, #tpu.memory_space<hbm>>) dst(%arg8 : memref<80x128xf32, #tpu.memory_space<vmem>>)
      "tpu.region"() ({
        %run_scoped3A_65 = tpu.sem_alloc : memref<!tpu.dma_semaphore, #tpu.memory_space<semaphore_mem>>
        %dma_start3A_66 = arith.constant 0 : i32
        %dma_start3A_67 = tpu.memref_slice %arg7[%mul3A_30, %dma_start3A_66] : memref<125x80xi32, #tpu.memory_space<vmem>> -> memref<1x80xi32, #tpu.memory_space<vmem>>
        %dma_start3A_68 = tpu.memref_squeeze %dma_start3A_67 : memref<1x80xi32, #tpu.memory_space<vmem>> -> memref<80xi32, #tpu.memory_space<vmem>>
        %dma_start3A_69 = arith.constant 0 : i32
        %dma_start3A_70 = arith.constant 0 : i32
        %dma_start3A_71 = tpu.memref_slice %arg6[%dma_start3A_69, %dma_start3A_70] : memref<10000x128xf32, #tpu.memory_space<vmem_shared>> -> memref<10000x128xf32, #tpu.memory_space<vmem_shared>>
        tpu.enqueue_indirect_dma source(%arg8 : memref<80x128xf32, #tpu.memory_space<vmem>>) target(%dma_start3A_71 : memref<10000x128xf32, #tpu.memory_space<vmem_shared>>) offsets(%dma_start3A_68 : memref<80xi32, #tpu.memory_space<vmem>>) semaphore(%run_scoped3A_65 : memref<!tpu.dma_semaphore, #tpu.memory_space<semaphore_mem>>) {add = true}
        %dma_wait3A_72 = arith.constant 0 : i32
        %dma_wait3A_73 = tpu.memref_slice %arg7[%mul3A_30, %dma_wait3A_72] : memref<125x80xi32, #tpu.memory_space<vmem>> -> memref<1x80xi32, #tpu.memory_space<vmem>>
        %dma_wait3A_74 = tpu.memref_squeeze %dma_wait3A_73 : memref<1x80xi32, #tpu.memory_space<vmem>> -> memref<80xi32, #tpu.memory_space<vmem>>
        %dma_wait3A_75 = arith.constant 0 : i32
        %dma_wait3A_76 = arith.constant 0 : i32
        %dma_wait3A_77 = tpu.memref_slice %arg6[%dma_wait3A_75, %dma_wait3A_76] : memref<10000x128xf32, #tpu.memory_space<vmem_shared>> -> memref<10000x128xf32, #tpu.memory_space<vmem_shared>>
        tpu.wait_indirect_dma semaphore(%run_scoped3A_65 : memref<!tpu.dma_semaphore, #tpu.memory_space<semaphore_mem>>) src(%arg8 : memref<80x128xf32, #tpu.memory_space<vmem>>) dst(%dma_wait3A_77 : memref<10000x128xf32, #tpu.memory_space<vmem_shared>>)
        tpu.yield
      }) : () -> ()
      %add3A_47 = arith.constant 2 : i32
      %add3A_48 = arith.addi %mul3A_30, %add3A_47 : i32
      %mul3A_49 = arith.constant 80 : i32
      %mul3A_50 = arith.muli %add3A_48, %mul3A_49 : i32
      %add3A_51 = arith.addi %mul3A_2, %mul3A_50 : i32
      %dma_start3A_52 = arith.constant 0 : i32
      %dma_start3A_53 = tpu.memref_slice %arg2[%add3A_51, %dma_start3A_52] : memref<320000x128xf32, #tpu.memory_space<hbm>> -> memref<80x128xf32, #tpu.memory_space<hbm>>
      %dma_start3A_54 = arith.constant 0 : i32
      %dma_start3A_55 = tpu.memref_slice %arg2[%add3A_51, %dma_start3A_54] : memref<320000x128xf32, #tpu.memory_space<hbm>> -> memref<80x128xf32, #tpu.memory_space<hbm>>
      tpu.enqueue_dma source(%dma_start3A_55 : memref<80x128xf32, #tpu.memory_space<hbm>>) target(%arg8 : memref<80x128xf32, #tpu.memory_space<vmem>>) target_semaphore(%arg10 : memref<!tpu.dma_semaphore, #tpu.memory_space<semaphore_mem>>)
      %add3A_56 = arith.constant 1 : i32
      %add3A_57 = arith.addi %mul3A_30, %add3A_56 : i32
      %mul3A_58 = arith.constant 80 : i32
      %mul3A_59 = arith.muli %add3A_57, %mul3A_58 : i32
      %add3A_60 = arith.addi %mul3A_2, %mul3A_59 : i32
      %dma_wait3A_61 = arith.constant 0 : i32
      %dma_wait3A_62 = tpu.memref_slice %arg2[%add3A_60, %dma_wait3A_61] : memref<320000x128xf32, #tpu.memory_space<hbm>> -> memref<80x128xf32, #tpu.memory_space<hbm>>
      %dma_wait3A_63 = arith.constant 0 : i32
      %dma_wait3A_64 = tpu.memref_slice %arg2[%add3A_60, %dma_wait3A_63] : memref<320000x128xf32, #tpu.memory_space<hbm>> -> memref<80x128xf32, #tpu.memory_space<hbm>>
      tpu.wait_dma2 semaphore(%arg11 : memref<!tpu.dma_semaphore, #tpu.memory_space<semaphore_mem>>) src(%dma_wait3A_64 : memref<80x128xf32, #tpu.memory_space<hbm>>) dst(%arg9 : memref<80x128xf32, #tpu.memory_space<vmem>>)
      "tpu.region"() ({
        %run_scoped3A_65 = tpu.sem_alloc : memref<!tpu.dma_semaphore, #tpu.memory_space<semaphore_mem>>
        %dma_start3A_66 = arith.constant 0 : i32
        %dma_start3A_67 = tpu.memref_slice %arg7[%add3A_57, %dma_start3A_66] : memref<125x80xi32, #tpu.memory_space<vmem>> -> memref<1x80xi32, #tpu.memory_space<vmem>>
        %dma_start3A_68 = tpu.memref_squeeze %dma_start3A_67 : memref<1x80xi32, #tpu.memory_space<vmem>> -> memref<80xi32, #tpu.memory_space<vmem>>
        %dma_start3A_69 = arith.constant 0 : i32
        %dma_start3A_70 = arith.constant 0 : i32
        %dma_start3A_71 = tpu.memref_slice %arg6[%dma_start3A_69, %dma_start3A_70] : memref<10000x128xf32, #tpu.memory_space<vmem_shared>> -> memref<10000x128xf32, #tpu.memory_space<vmem_shared>>
        tpu.enqueue_indirect_dma source(%arg9 : memref<80x128xf32, #tpu.memory_space<vmem>>) target(%dma_start3A_71 : memref<10000x128xf32, #tpu.memory_space<vmem_shared>>) offsets(%dma_start3A_68 : memref<80xi32, #tpu.memory_space<vmem>>) semaphore(%run_scoped3A_65 : memref<!tpu.dma_semaphore, #tpu.memory_space<semaphore_mem>>) {add = true}
        %dma_wait3A_72 = arith.constant 0 : i32
        %dma_wait3A_73 = tpu.memref_slice %arg7[%add3A_57, %dma_wait3A_72] : memref<125x80xi32, #tpu.memory_space<vmem>> -> memref<1x80xi32, #tpu.memory_space<vmem>>
        %dma_wait3A_74 = tpu.memref_squeeze %dma_wait3A_73 : memref<1x80xi32, #tpu.memory_space<vmem>> -> memref<80xi32, #tpu.memory_space<vmem>>
        %dma_wait3A_75 = arith.constant 0 : i32
        %dma_wait3A_76 = arith.constant 0 : i32
        %dma_wait3A_77 = tpu.memref_slice %arg6[%dma_wait3A_75, %dma_wait3A_76] : memref<10000x128xf32, #tpu.memory_space<vmem_shared>> -> memref<10000x128xf32, #tpu.memory_space<vmem_shared>>
        tpu.wait_indirect_dma semaphore(%run_scoped3A_65 : memref<!tpu.dma_semaphore, #tpu.memory_space<semaphore_mem>>) src(%arg9 : memref<80x128xf32, #tpu.memory_space<vmem>>) dst(%dma_wait3A_77 : memref<10000x128xf32, #tpu.memory_space<vmem_shared>>)
        tpu.yield
      }) : () -> ()
    }
    %scan3A_16 = arith.constant 62 : i32
    %add3A_17 = arith.constant 9920 : i32
    %add3A_18 = arith.addi %mul3A_2, %add3A_17 : i32
    %dma_wait3A = arith.constant 0 : i32
    %dma_wait3A_19 = tpu.memref_slice %arg2[%add3A_18, %dma_wait3A] : memref<320000x128xf32, #tpu.memory_space<hbm>> -> memref<80x128xf32, #tpu.memory_space<hbm>>
    %dma_wait3A_20 = arith.constant 0 : i32
    %dma_wait3A_21 = tpu.memref_slice %arg2[%add3A_18, %dma_wait3A_20] : memref<320000x128xf32, #tpu.memory_space<hbm>> -> memref<80x128xf32, #tpu.memory_space<hbm>>
    tpu.wait_dma2 semaphore(%arg10 : memref<!tpu.dma_semaphore, #tpu.memory_space<semaphore_mem>>) src(%dma_wait3A_21 : memref<80x128xf32, #tpu.memory_space<hbm>>) dst(%arg8 : memref<80x128xf32, #tpu.memory_space<vmem>>)
    %run_scoped3A = arith.constant 124 : i32
    "tpu.region"() ({
      %run_scoped3A_28 = tpu.sem_alloc : memref<!tpu.dma_semaphore, #tpu.memory_space<semaphore_mem>>
      %dma_start3A_29 = arith.constant 0 : i32
      %dma_start3A_30 = tpu.memref_slice %arg7[%run_scoped3A, %dma_start3A_29] : memref<125x80xi32, #tpu.memory_space<vmem>> -> memref<1x80xi32, #tpu.memory_space<vmem>>
      %dma_start3A_31 = tpu.memref_squeeze %dma_start3A_30 : memref<1x80xi32, #tpu.memory_space<vmem>> -> memref<80xi32, #tpu.memory_space<vmem>>
      %dma_start3A_32 = arith.constant 0 : i32
      %dma_start3A_33 = arith.constant 0 : i32
      %dma_start3A_34 = tpu.memref_slice %arg6[%dma_start3A_32, %dma_start3A_33] : memref<10000x128xf32, #tpu.memory_space<vmem_shared>> -> memref<10000x128xf32, #tpu.memory_space<vmem_shared>>
      tpu.enqueue_indirect_dma source(%arg8 : memref<80x128xf32, #tpu.memory_space<vmem>>) target(%dma_start3A_34 : memref<10000x128xf32, #tpu.memory_space<vmem_shared>>) offsets(%dma_start3A_31 : memref<80xi32, #tpu.memory_space<vmem>>) semaphore(%run_scoped3A_28 : memref<!tpu.dma_semaphore, #tpu.memory_space<semaphore_mem>>) {add = true}
      %dma_wait3A_35 = arith.constant 0 : i32
      %dma_wait3A_36 = tpu.memref_slice %arg7[%run_scoped3A, %dma_wait3A_35] : memref<125x80xi32, #tpu.memory_space<vmem>> -> memref<1x80xi32, #tpu.memory_space<vmem>>
      %dma_wait3A_37 = tpu.memref_squeeze %dma_wait3A_36 : memref<1x80xi32, #tpu.memory_space<vmem>> -> memref<80xi32, #tpu.memory_space<vmem>>
      %dma_wait3A_38 = arith.constant 0 : i32
      %dma_wait3A_39 = arith.constant 0 : i32
      %dma_wait3A_40 = tpu.memref_slice %arg6[%dma_wait3A_38, %dma_wait3A_39] : memref<10000x128xf32, #tpu.memory_space<vmem_shared>> -> memref<10000x128xf32, #tpu.memory_space<vmem_shared>>
      tpu.wait_indirect_dma semaphore(%run_scoped3A_28 : memref<!tpu.dma_semaphore, #tpu.memory_space<semaphore_mem>>) src(%arg8 : memref<80x128xf32, #tpu.memory_space<vmem>>) dst(%dma_wait3A_40 : memref<10000x128xf32, #tpu.memory_space<vmem_shared>>)
      tpu.yield
    }) : () -> ()
    %barrier3A_22 = arith.constant 0 : index
    tpu.barrier barrier_id(%barrier3A_22)
    "tpu.region"() ({
      %run_scoped3A_28 = tpu.sem_alloc : memref<!tpu.dma_semaphore, #tpu.memory_space<semaphore_mem>>
      %dma_start3A_29 = arith.constant 0 : i32
      %dma_start3A_30 = tpu.memref_slice %arg5[%arg0, %mul3A_4, %dma_start3A_29] : memref<2x10000x128xf32, #tpu.memory_space<hbm>> -> memref<1x624x128xf32, #tpu.memory_space<hbm>>
      %dma_start3A_31 = tpu.memref_squeeze %dma_start3A_30 : memref<1x624x128xf32, #tpu.memory_space<hbm>> -> memref<624x128xf32, #tpu.memory_space<hbm>>
      %dma_start3A_32 = arith.constant 0 : i32
      %dma_start3A_33 = tpu.memref_slice %arg6[%mul3A_4, %dma_start3A_32] : memref<10000x128xf32, #tpu.memory_space<vmem_shared>> -> memref<624x128xf32, #tpu.memory_space<vmem_shared>>
      tpu.enqueue_dma source(%dma_start3A_33 : memref<624x128xf32, #tpu.memory_space<vmem_shared>>) target(%dma_start3A_31 : memref<624x128xf32, #tpu.memory_space<hbm>>) target_semaphore(%run_scoped3A_28 : memref<!tpu.dma_semaphore, #tpu.memory_space<semaphore_mem>>)
      %dma_wait3A_34 = arith.constant 0 : i32
      %dma_wait3A_35 = tpu.memref_slice %arg5[%arg0, %mul3A_4, %dma_wait3A_34] : memref<2x10000x128xf32, #tpu.memory_space<hbm>> -> memref<1x624x128xf32, #tpu.memory_space<hbm>>
      %dma_wait3A_36 = tpu.memref_squeeze %dma_wait3A_35 : memref<1x624x128xf32, #tpu.memory_space<hbm>> -> memref<624x128xf32, #tpu.memory_space<hbm>>
      %dma_wait3A_37 = arith.constant 0 : i32
      %dma_wait3A_38 = tpu.memref_slice %arg6[%mul3A_4, %dma_wait3A_37] : memref<10000x128xf32, #tpu.memory_space<vmem_shared>> -> memref<624x128xf32, #tpu.memory_space<vmem_shared>>
      tpu.wait_dma2 semaphore(%run_scoped3A_28 : memref<!tpu.dma_semaphore, #tpu.memory_space<semaphore_mem>>) src(%dma_wait3A_38 : memref<624x128xf32, #tpu.memory_space<vmem_shared>>) dst(%dma_wait3A_36 : memref<624x128xf32, #tpu.memory_space<hbm>>)
      tpu.yield
    }) : () -> ()
    %eq3A_23 = arith.constant 15 : i32
    %eq3A_24 = arith.cmpi eq, %arg1, %eq3A_23 : i32
    %convert_element_type3A_25 = arith.extui %eq3A_24 : i1 to i32
    %cond3A_26 = arith.constant 0 : i32
    %cond3A_27 = arith.cmpi ne, %convert_element_type3A_25, %cond3A_26 : i32
    scf.if %cond3A_27 {
      "tpu.region"() ({
        %run_scoped3A_28 = tpu.sem_alloc : memref<!tpu.dma_semaphore, #tpu.memory_space<semaphore_mem>>
        %dma_start3A_29 = arith.constant 9984 : i32
        %dma_start3A_30 = arith.constant 0 : i32
        %dma_start3A_31 = tpu.memref_slice %arg5[%arg0, %dma_start3A_29, %dma_start3A_30] : memref<2x10000x128xf32, #tpu.memory_space<hbm>> -> memref<1x16x128xf32, #tpu.memory_space<hbm>>
        %dma_start3A_32 = tpu.memref_squeeze %dma_start3A_31 : memref<1x16x128xf32, #tpu.memory_space<hbm>> -> memref<16x128xf32, #tpu.memory_space<hbm>>
        %dma_start3A_33 = arith.constant 9984 : i32
        %dma_start3A_34 = arith.constant 0 : i32
        %dma_start3A_35 = tpu.memref_slice %arg6[%dma_start3A_33, %dma_start3A_34] : memref<10000x128xf32, #tpu.memory_space<vmem_shared>> -> memref<16x128xf32, #tpu.memory_space<vmem_shared>>
        tpu.enqueue_dma source(%dma_start3A_35 : memref<16x128xf32, #tpu.memory_space<vmem_shared>>) target(%dma_start3A_32 : memref<16x128xf32, #tpu.memory_space<hbm>>) target_semaphore(%run_scoped3A_28 : memref<!tpu.dma_semaphore, #tpu.memory_space<semaphore_mem>>)
        %dma_wait3A_36 = arith.constant 9984 : i32
        %dma_wait3A_37 = arith.constant 0 : i32
        %dma_wait3A_38 = tpu.memref_slice %arg5[%arg0, %dma_wait3A_36, %dma_wait3A_37] : memref<2x10000x128xf32, #tpu.memory_space<hbm>> -> memref<1x16x128xf32, #tpu.memory_space<hbm>>
        %dma_wait3A_39 = tpu.memref_squeeze %dma_wait3A_38 : memref<1x16x128xf32, #tpu.memory_space<hbm>> -> memref<16x128xf32, #tpu.memory_space<hbm>>
        %dma_wait3A_40 = arith.constant 9984 : i32
        %dma_wait3A_41 = arith.constant 0 : i32
        %dma_wait3A_42 = tpu.memref_slice %arg6[%dma_wait3A_40, %dma_wait3A_41] : memref<10000x128xf32, #tpu.memory_space<vmem_shared>> -> memref<16x128xf32, #tpu.memory_space<vmem_shared>>
        tpu.wait_dma2 semaphore(%run_scoped3A_28 : memref<!tpu.dma_semaphore, #tpu.memory_space<semaphore_mem>>) src(%dma_wait3A_42 : memref<16x128xf32, #tpu.memory_space<vmem_shared>>) dst(%dma_wait3A_39 : memref<16x128xf32, #tpu.memory_space<hbm>>)
        tpu.yield
      }) : () -> ()
    } else {
    }
    return
  }
}

#map = affine_map<(d0, d1) -> (0, 0)>
#map1 = affine_map<(d0, d1) -> (0, 0, 0)>
module attributes {stable_mosaic.version = 14 : i64} {
  func.func @kfn(%arg0: i32, %arg1: i32, %arg2: memref<10000x128xf32, #tpu.memory_space<hbm>>, %arg3: memref<10000x128xf32, #tpu.memory_space<hbm>>, %arg4: memref<10000x128xf32, #tpu.memory_space<hbm>>, %arg5: memref<32x125x80xi32, #tpu.memory_space<hbm>>, %arg6: memref<32x125x80xi32, #tpu.memory_space<hbm>>, %arg7: memref<320000x128xf32, #tpu.memory_space<hbm>>, %arg8: memref<320000x128xf32, #tpu.memory_space<hbm>>, %arg9: memref<320000x128xf32, #tpu.memory_space<hbm>>, %arg10: memref<125x80xi32, #tpu.memory_space<vmem>>, %arg11: memref<125x80xi32, #tpu.memory_space<vmem>>, %arg12: memref<80x128xf32, #tpu.memory_space<vmem>>, %arg13: memref<80x128xf32, #tpu.memory_space<vmem>>, %arg14: memref<80x128xf32, #tpu.memory_space<vmem>>, %arg15: memref<80x128xf32, #tpu.memory_space<vmem>>, %arg16: memref<80x128xf32, #tpu.memory_space<vmem>>, %arg17: memref<80x128xf32, #tpu.memory_space<vmem>>, %arg18: memref<!tpu.dma_semaphore, #tpu.memory_space<semaphore_mem>>, %arg19: memref<!tpu.dma_semaphore, #tpu.memory_space<semaphore_mem>>, %arg20: memref<!tpu.dma_semaphore, #tpu.memory_space<semaphore_mem>>, %arg21: memref<!tpu.dma_semaphore, #tpu.memory_space<semaphore_mem>>, %arg22: memref<!tpu.dma_semaphore, #tpu.memory_space<semaphore_mem>>, %arg23: memref<!tpu.dma_semaphore, #tpu.memory_space<semaphore_mem>>) attributes {dimension_semantics = [#tpu.dimension_semantics<core_parallel>, #tpu.dimension_semantics<subcore_parallel>], iteration_bounds = array<i64: 2, 16>, scalar_prefetch = 0 : i64, scratch_operands = 14 : i64, tpu.core_type = #tpu.core_type<sc_vector_subcore>, window_params = [{transform_indices = #map}, {transform_indices = #map}, {transform_indices = #map}, {transform_indices = #map1}, {transform_indices = #map1}, {transform_indices = #map}, {transform_indices = #map}, {transform_indices = #map}]} {
    %mul3A = arith.constant 2 : i32
    %mul3A_0 = arith.muli %arg1, %mul3A : i32
    %add3A = arith.addi %mul3A_0, %arg0 : i32
    %mul3A_1 = arith.constant 10000 : i32
    %mul3A_2 = arith.muli %add3A, %mul3A_1 : i32
    "tpu.region"() ({
      %run_scoped3A = tpu.sem_alloc : memref<!tpu.dma_semaphore, #tpu.memory_space<semaphore_mem>>
      %dma_start3A_50 = arith.constant 0 : i32
      %dma_start3A_51 = arith.constant 0 : i32
      %dma_start3A_52 = tpu.memref_slice %arg5[%add3A, %dma_start3A_50, %dma_start3A_51] : memref<32x125x80xi32, #tpu.memory_space<hbm>> -> memref<1x125x80xi32, #tpu.memory_space<hbm>>
      %dma_start3A_53 = tpu.memref_squeeze %dma_start3A_52 : memref<1x125x80xi32, #tpu.memory_space<hbm>> -> memref<125x80xi32, #tpu.memory_space<hbm>>
      %dma_start3A_54 = arith.constant 0 : i32
      %dma_start3A_55 = arith.constant 0 : i32
      %dma_start3A_56 = tpu.memref_slice %arg5[%add3A, %dma_start3A_54, %dma_start3A_55] : memref<32x125x80xi32, #tpu.memory_space<hbm>> -> memref<1x125x80xi32, #tpu.memory_space<hbm>>
      %dma_start3A_57 = tpu.memref_squeeze %dma_start3A_56 : memref<1x125x80xi32, #tpu.memory_space<hbm>> -> memref<125x80xi32, #tpu.memory_space<hbm>>
      tpu.enqueue_dma source(%dma_start3A_57 : memref<125x80xi32, #tpu.memory_space<hbm>>) target(%arg10 : memref<125x80xi32, #tpu.memory_space<vmem>>) target_semaphore(%run_scoped3A : memref<!tpu.dma_semaphore, #tpu.memory_space<semaphore_mem>>)
      %dma_wait3A_58 = arith.constant 0 : i32
      %dma_wait3A_59 = arith.constant 0 : i32
      %dma_wait3A_60 = tpu.memref_slice %arg5[%add3A, %dma_wait3A_58, %dma_wait3A_59] : memref<32x125x80xi32, #tpu.memory_space<hbm>> -> memref<1x125x80xi32, #tpu.memory_space<hbm>>
      %dma_wait3A_61 = tpu.memref_squeeze %dma_wait3A_60 : memref<1x125x80xi32, #tpu.memory_space<hbm>> -> memref<125x80xi32, #tpu.memory_space<hbm>>
      %dma_wait3A_62 = arith.constant 0 : i32
      %dma_wait3A_63 = arith.constant 0 : i32
      %dma_wait3A_64 = tpu.memref_slice %arg5[%add3A, %dma_wait3A_62, %dma_wait3A_63] : memref<32x125x80xi32, #tpu.memory_space<hbm>> -> memref<1x125x80xi32, #tpu.memory_space<hbm>>
      %dma_wait3A_65 = tpu.memref_squeeze %dma_wait3A_64 : memref<1x125x80xi32, #tpu.memory_space<hbm>> -> memref<125x80xi32, #tpu.memory_space<hbm>>
      tpu.wait_dma2 semaphore(%run_scoped3A : memref<!tpu.dma_semaphore, #tpu.memory_space<semaphore_mem>>) src(%dma_wait3A_65 : memref<125x80xi32, #tpu.memory_space<hbm>>) dst(%arg10 : memref<125x80xi32, #tpu.memory_space<vmem>>)
      tpu.yield
    }) : () -> ()
    "tpu.region"() ({
      %run_scoped3A = tpu.sem_alloc : memref<!tpu.dma_semaphore, #tpu.memory_space<semaphore_mem>>
      %dma_start3A_50 = arith.constant 0 : i32
      %dma_start3A_51 = arith.constant 0 : i32
      %dma_start3A_52 = tpu.memref_slice %arg6[%add3A, %dma_start3A_50, %dma_start3A_51] : memref<32x125x80xi32, #tpu.memory_space<hbm>> -> memref<1x125x80xi32, #tpu.memory_space<hbm>>
      %dma_start3A_53 = tpu.memref_squeeze %dma_start3A_52 : memref<1x125x80xi32, #tpu.memory_space<hbm>> -> memref<125x80xi32, #tpu.memory_space<hbm>>
      %dma_start3A_54 = arith.constant 0 : i32
      %dma_start3A_55 = arith.constant 0 : i32
      %dma_start3A_56 = tpu.memref_slice %arg6[%add3A, %dma_start3A_54, %dma_start3A_55] : memref<32x125x80xi32, #tpu.memory_space<hbm>> -> memref<1x125x80xi32, #tpu.memory_space<hbm>>
      %dma_start3A_57 = tpu.memref_squeeze %dma_start3A_56 : memref<1x125x80xi32, #tpu.memory_space<hbm>> -> memref<125x80xi32, #tpu.memory_space<hbm>>
      tpu.enqueue_dma source(%dma_start3A_57 : memref<125x80xi32, #tpu.memory_space<hbm>>) target(%arg11 : memref<125x80xi32, #tpu.memory_space<vmem>>) target_semaphore(%run_scoped3A : memref<!tpu.dma_semaphore, #tpu.memory_space<semaphore_mem>>)
      %dma_wait3A_58 = arith.constant 0 : i32
      %dma_wait3A_59 = arith.constant 0 : i32
      %dma_wait3A_60 = tpu.memref_slice %arg6[%add3A, %dma_wait3A_58, %dma_wait3A_59] : memref<32x125x80xi32, #tpu.memory_space<hbm>> -> memref<1x125x80xi32, #tpu.memory_space<hbm>>
      %dma_wait3A_61 = tpu.memref_squeeze %dma_wait3A_60 : memref<1x125x80xi32, #tpu.memory_space<hbm>> -> memref<125x80xi32, #tpu.memory_space<hbm>>
      %dma_wait3A_62 = arith.constant 0 : i32
      %dma_wait3A_63 = arith.constant 0 : i32
      %dma_wait3A_64 = tpu.memref_slice %arg6[%add3A, %dma_wait3A_62, %dma_wait3A_63] : memref<32x125x80xi32, #tpu.memory_space<hbm>> -> memref<1x125x80xi32, #tpu.memory_space<hbm>>
      %dma_wait3A_65 = tpu.memref_squeeze %dma_wait3A_64 : memref<1x125x80xi32, #tpu.memory_space<hbm>> -> memref<125x80xi32, #tpu.memory_space<hbm>>
      tpu.wait_dma2 semaphore(%run_scoped3A : memref<!tpu.dma_semaphore, #tpu.memory_space<semaphore_mem>>) src(%dma_wait3A_65 : memref<125x80xi32, #tpu.memory_space<hbm>>) dst(%arg11 : memref<125x80xi32, #tpu.memory_space<vmem>>)
      tpu.yield
    }) : () -> ()
    %dma_start3A = arith.constant 0 : i32
    %dma_start3A_3 = arith.constant 0 : i32
    %dma_start3A_4 = tpu.memref_slice %arg10[%dma_start3A, %dma_start3A_3] : memref<125x80xi32, #tpu.memory_space<vmem>> -> memref<1x80xi32, #tpu.memory_space<vmem>>
    %dma_start3A_5 = tpu.memref_squeeze %dma_start3A_4 : memref<1x80xi32, #tpu.memory_space<vmem>> -> memref<80xi32, #tpu.memory_space<vmem>>
    %dma_start3A_6 = arith.constant 0 : i32
    %dma_start3A_7 = arith.constant 0 : i32
    %dma_start3A_8 = tpu.memref_slice %arg2[%dma_start3A_6, %dma_start3A_7] : memref<10000x128xf32, #tpu.memory_space<hbm>> -> memref<10000x128xf32, #tpu.memory_space<hbm>>
    tpu.enqueue_indirect_dma source(%dma_start3A_8 : memref<10000x128xf32, #tpu.memory_space<hbm>>) target(%arg12 : memref<80x128xf32, #tpu.memory_space<vmem>>) offsets(%dma_start3A_5 : memref<80xi32, #tpu.memory_space<vmem>>) semaphore(%arg18 : memref<!tpu.dma_semaphore, #tpu.memory_space<semaphore_mem>>)
    %dma_start3A_9 = arith.constant 0 : i32
    %dma_start3A_10 = arith.constant 0 : i32
    %dma_start3A_11 = tpu.memref_slice %arg11[%dma_start3A_9, %dma_start3A_10] : memref<125x80xi32, #tpu.memory_space<vmem>> -> memref<1x80xi32, #tpu.memory_space<vmem>>
    %dma_start3A_12 = tpu.memref_squeeze %dma_start3A_11 : memref<1x80xi32, #tpu.memory_space<vmem>> -> memref<80xi32, #tpu.memory_space<vmem>>
    %dma_start3A_13 = arith.constant 0 : i32
    %dma_start3A_14 = arith.constant 0 : i32
    %dma_start3A_15 = tpu.memref_slice %arg3[%dma_start3A_13, %dma_start3A_14] : memref<10000x128xf32, #tpu.memory_space<hbm>> -> memref<10000x128xf32, #tpu.memory_space<hbm>>
    tpu.enqueue_indirect_dma source(%dma_start3A_15 : memref<10000x128xf32, #tpu.memory_space<hbm>>) target(%arg13 : memref<80x128xf32, #tpu.memory_space<vmem>>) offsets(%dma_start3A_12 : memref<80xi32, #tpu.memory_space<vmem>>) semaphore(%arg19 : memref<!tpu.dma_semaphore, #tpu.memory_space<semaphore_mem>>)
    %dma_start3A_16 = arith.constant 0 : i32
    %dma_start3A_17 = arith.constant 0 : i32
    %dma_start3A_18 = tpu.memref_slice %arg10[%dma_start3A_16, %dma_start3A_17] : memref<125x80xi32, #tpu.memory_space<vmem>> -> memref<1x80xi32, #tpu.memory_space<vmem>>
    %dma_start3A_19 = tpu.memref_squeeze %dma_start3A_18 : memref<1x80xi32, #tpu.memory_space<vmem>> -> memref<80xi32, #tpu.memory_space<vmem>>
    %dma_start3A_20 = arith.constant 0 : i32
    %dma_start3A_21 = arith.constant 0 : i32
    %dma_start3A_22 = tpu.memref_slice %arg4[%dma_start3A_20, %dma_start3A_21] : memref<10000x128xf32, #tpu.memory_space<hbm>> -> memref<10000x128xf32, #tpu.memory_space<hbm>>
    tpu.enqueue_indirect_dma source(%dma_start3A_22 : memref<10000x128xf32, #tpu.memory_space<hbm>>) target(%arg14 : memref<80x128xf32, #tpu.memory_space<vmem>>) offsets(%dma_start3A_19 : memref<80xi32, #tpu.memory_space<vmem>>) semaphore(%arg20 : memref<!tpu.dma_semaphore, #tpu.memory_space<semaphore_mem>>)
    %scan3A = arith.constant 0 : i32
    %scan3A_23 = arith.constant 0 : i32
    %scan3A_24 = arith.constant 62 : i32
    %scan3A_25 = arith.addi %scan3A_23, %scan3A_24 : i32
    %scan3A_26 = arith.constant 1 : i32
    scf.for %scan3A_50 = %scan3A_23 to %scan3A_25 step %scan3A_26  : i32 {
      %mul3A_51 = arith.constant 2 : i32
      %mul3A_52 = arith.muli %mul3A_51, %scan3A_50 : i32
      %add3A_53 = arith.constant 1 : i32
      %add3A_54 = arith.addi %mul3A_52, %add3A_53 : i32
      %dma_start3A_55 = arith.constant 0 : i32
      %dma_start3A_56 = tpu.memref_slice %arg10[%add3A_54, %dma_start3A_55] : memref<125x80xi32, #tpu.memory_space<vmem>> -> memref<1x80xi32, #tpu.memory_space<vmem>>
      %dma_start3A_57 = tpu.memref_squeeze %dma_start3A_56 : memref<1x80xi32, #tpu.memory_space<vmem>> -> memref<80xi32, #tpu.memory_space<vmem>>
      %dma_start3A_58 = arith.constant 0 : i32
      %dma_start3A_59 = arith.constant 0 : i32
      %dma_start3A_60 = tpu.memref_slice %arg2[%dma_start3A_58, %dma_start3A_59] : memref<10000x128xf32, #tpu.memory_space<hbm>> -> memref<10000x128xf32, #tpu.memory_space<hbm>>
      tpu.enqueue_indirect_dma source(%dma_start3A_60 : memref<10000x128xf32, #tpu.memory_space<hbm>>) target(%arg15 : memref<80x128xf32, #tpu.memory_space<vmem>>) offsets(%dma_start3A_57 : memref<80xi32, #tpu.memory_space<vmem>>) semaphore(%arg21 : memref<!tpu.dma_semaphore, #tpu.memory_space<semaphore_mem>>)
      %dma_start3A_61 = arith.constant 0 : i32
      %dma_start3A_62 = tpu.memref_slice %arg11[%add3A_54, %dma_start3A_61] : memref<125x80xi32, #tpu.memory_space<vmem>> -> memref<1x80xi32, #tpu.memory_space<vmem>>
      %dma_start3A_63 = tpu.memref_squeeze %dma_start3A_62 : memref<1x80xi32, #tpu.memory_space<vmem>> -> memref<80xi32, #tpu.memory_space<vmem>>
      %dma_start3A_64 = arith.constant 0 : i32
      %dma_start3A_65 = arith.constant 0 : i32
      %dma_start3A_66 = tpu.memref_slice %arg3[%dma_start3A_64, %dma_start3A_65] : memref<10000x128xf32, #tpu.memory_space<hbm>> -> memref<10000x128xf32, #tpu.memory_space<hbm>>
      tpu.enqueue_indirect_dma source(%dma_start3A_66 : memref<10000x128xf32, #tpu.memory_space<hbm>>) target(%arg16 : memref<80x128xf32, #tpu.memory_space<vmem>>) offsets(%dma_start3A_63 : memref<80xi32, #tpu.memory_space<vmem>>) semaphore(%arg22 : memref<!tpu.dma_semaphore, #tpu.memory_space<semaphore_mem>>)
      %dma_start3A_67 = arith.constant 0 : i32
      %dma_start3A_68 = tpu.memref_slice %arg10[%add3A_54, %dma_start3A_67] : memref<125x80xi32, #tpu.memory_space<vmem>> -> memref<1x80xi32, #tpu.memory_space<vmem>>
      %dma_start3A_69 = tpu.memref_squeeze %dma_start3A_68 : memref<1x80xi32, #tpu.memory_space<vmem>> -> memref<80xi32, #tpu.memory_space<vmem>>
      %dma_start3A_70 = arith.constant 0 : i32
      %dma_start3A_71 = arith.constant 0 : i32
      %dma_start3A_72 = tpu.memref_slice %arg4[%dma_start3A_70, %dma_start3A_71] : memref<10000x128xf32, #tpu.memory_space<hbm>> -> memref<10000x128xf32, #tpu.memory_space<hbm>>
      tpu.enqueue_indirect_dma source(%dma_start3A_72 : memref<10000x128xf32, #tpu.memory_space<hbm>>) target(%arg17 : memref<80x128xf32, #tpu.memory_space<vmem>>) offsets(%dma_start3A_69 : memref<80xi32, #tpu.memory_space<vmem>>) semaphore(%arg23 : memref<!tpu.dma_semaphore, #tpu.memory_space<semaphore_mem>>)
      %mul3A_73 = arith.constant 80 : i32
      %mul3A_74 = arith.muli %mul3A_52, %mul3A_73 : i32
      %add3A_75 = arith.addi %mul3A_2, %mul3A_74 : i32
      %dma_wait3A_76 = arith.constant 0 : i32
      %dma_wait3A_77 = tpu.memref_slice %arg10[%mul3A_52, %dma_wait3A_76] : memref<125x80xi32, #tpu.memory_space<vmem>> -> memref<1x80xi32, #tpu.memory_space<vmem>>
      %dma_wait3A_78 = tpu.memref_squeeze %dma_wait3A_77 : memref<1x80xi32, #tpu.memory_space<vmem>> -> memref<80xi32, #tpu.memory_space<vmem>>
      %dma_wait3A_79 = arith.constant 0 : i32
      %dma_wait3A_80 = arith.constant 0 : i32
      %dma_wait3A_81 = tpu.memref_slice %arg2[%dma_wait3A_79, %dma_wait3A_80] : memref<10000x128xf32, #tpu.memory_space<hbm>> -> memref<10000x128xf32, #tpu.memory_space<hbm>>
      tpu.wait_indirect_dma semaphore(%arg18 : memref<!tpu.dma_semaphore, #tpu.memory_space<semaphore_mem>>) src(%dma_wait3A_81 : memref<10000x128xf32, #tpu.memory_space<hbm>>) dst(%arg12 : memref<80x128xf32, #tpu.memory_space<vmem>>)
      %dma_wait3A_82 = arith.constant 0 : i32
      %dma_wait3A_83 = tpu.memref_slice %arg11[%mul3A_52, %dma_wait3A_82] : memref<125x80xi32, #tpu.memory_space<vmem>> -> memref<1x80xi32, #tpu.memory_space<vmem>>
      %dma_wait3A_84 = tpu.memref_squeeze %dma_wait3A_83 : memref<1x80xi32, #tpu.memory_space<vmem>> -> memref<80xi32, #tpu.memory_space<vmem>>
      %dma_wait3A_85 = arith.constant 0 : i32
      %dma_wait3A_86 = arith.constant 0 : i32
      %dma_wait3A_87 = tpu.memref_slice %arg3[%dma_wait3A_85, %dma_wait3A_86] : memref<10000x128xf32, #tpu.memory_space<hbm>> -> memref<10000x128xf32, #tpu.memory_space<hbm>>
      tpu.wait_indirect_dma semaphore(%arg19 : memref<!tpu.dma_semaphore, #tpu.memory_space<semaphore_mem>>) src(%dma_wait3A_87 : memref<10000x128xf32, #tpu.memory_space<hbm>>) dst(%arg13 : memref<80x128xf32, #tpu.memory_space<vmem>>)
      %dma_wait3A_88 = arith.constant 0 : i32
      %dma_wait3A_89 = tpu.memref_slice %arg10[%mul3A_52, %dma_wait3A_88] : memref<125x80xi32, #tpu.memory_space<vmem>> -> memref<1x80xi32, #tpu.memory_space<vmem>>
      %dma_wait3A_90 = tpu.memref_squeeze %dma_wait3A_89 : memref<1x80xi32, #tpu.memory_space<vmem>> -> memref<80xi32, #tpu.memory_space<vmem>>
      %dma_wait3A_91 = arith.constant 0 : i32
      %dma_wait3A_92 = arith.constant 0 : i32
      %dma_wait3A_93 = tpu.memref_slice %arg4[%dma_wait3A_91, %dma_wait3A_92] : memref<10000x128xf32, #tpu.memory_space<hbm>> -> memref<10000x128xf32, #tpu.memory_space<hbm>>
      tpu.wait_indirect_dma semaphore(%arg20 : memref<!tpu.dma_semaphore, #tpu.memory_space<semaphore_mem>>) src(%dma_wait3A_93 : memref<10000x128xf32, #tpu.memory_space<hbm>>) dst(%arg14 : memref<80x128xf32, #tpu.memory_space<vmem>>)
      "tpu.region"() ({
        %run_scoped3A = tpu.sem_alloc : memref<!tpu.dma_semaphore, #tpu.memory_space<semaphore_mem>>
        %dma_start3A_137 = arith.constant 0 : i32
        %dma_start3A_138 = tpu.memref_slice %arg7[%add3A_75, %dma_start3A_137] : memref<320000x128xf32, #tpu.memory_space<hbm>> -> memref<80x128xf32, #tpu.memory_space<hbm>>
        %dma_start3A_139 = arith.constant 0 : i32
        %dma_start3A_140 = tpu.memref_slice %arg7[%add3A_75, %dma_start3A_139] : memref<320000x128xf32, #tpu.memory_space<hbm>> -> memref<80x128xf32, #tpu.memory_space<hbm>>
        tpu.enqueue_dma source(%arg12 : memref<80x128xf32, #tpu.memory_space<vmem>>) target(%dma_start3A_140 : memref<80x128xf32, #tpu.memory_space<hbm>>) target_semaphore(%run_scoped3A : memref<!tpu.dma_semaphore, #tpu.memory_space<semaphore_mem>>)
        %dma_wait3A_141 = arith.constant 0 : i32
        %dma_wait3A_142 = tpu.memref_slice %arg7[%add3A_75, %dma_wait3A_141] : memref<320000x128xf32, #tpu.memory_space<hbm>> -> memref<80x128xf32, #tpu.memory_space<hbm>>
        %dma_wait3A_143 = arith.constant 0 : i32
        %dma_wait3A_144 = tpu.memref_slice %arg7[%add3A_75, %dma_wait3A_143] : memref<320000x128xf32, #tpu.memory_space<hbm>> -> memref<80x128xf32, #tpu.memory_space<hbm>>
        tpu.wait_dma2 semaphore(%run_scoped3A : memref<!tpu.dma_semaphore, #tpu.memory_space<semaphore_mem>>) src(%arg12 : memref<80x128xf32, #tpu.memory_space<vmem>>) dst(%dma_wait3A_144 : memref<80x128xf32, #tpu.memory_space<hbm>>)
        tpu.yield
      }) : () -> ()
      "tpu.region"() ({
        %run_scoped3A = tpu.sem_alloc : memref<!tpu.dma_semaphore, #tpu.memory_space<semaphore_mem>>
        %dma_start3A_137 = arith.constant 0 : i32
        %dma_start3A_138 = tpu.memref_slice %arg8[%add3A_75, %dma_start3A_137] : memref<320000x128xf32, #tpu.memory_space<hbm>> -> memref<80x128xf32, #tpu.memory_space<hbm>>
        %dma_start3A_139 = arith.constant 0 : i32
        %dma_start3A_140 = tpu.memref_slice %arg8[%add3A_75, %dma_start3A_139] : memref<320000x128xf32, #tpu.memory_space<hbm>> -> memref<80x128xf32, #tpu.memory_space<hbm>>
        tpu.enqueue_dma source(%arg13 : memref<80x128xf32, #tpu.memory_space<vmem>>) target(%dma_start3A_140 : memref<80x128xf32, #tpu.memory_space<hbm>>) target_semaphore(%run_scoped3A : memref<!tpu.dma_semaphore, #tpu.memory_space<semaphore_mem>>)
        %dma_wait3A_141 = arith.constant 0 : i32
        %dma_wait3A_142 = tpu.memref_slice %arg8[%add3A_75, %dma_wait3A_141] : memref<320000x128xf32, #tpu.memory_space<hbm>> -> memref<80x128xf32, #tpu.memory_space<hbm>>
        %dma_wait3A_143 = arith.constant 0 : i32
        %dma_wait3A_144 = tpu.memref_slice %arg8[%add3A_75, %dma_wait3A_143] : memref<320000x128xf32, #tpu.memory_space<hbm>> -> memref<80x128xf32, #tpu.memory_space<hbm>>
        tpu.wait_dma2 semaphore(%run_scoped3A : memref<!tpu.dma_semaphore, #tpu.memory_space<semaphore_mem>>) src(%arg13 : memref<80x128xf32, #tpu.memory_space<vmem>>) dst(%dma_wait3A_144 : memref<80x128xf32, #tpu.memory_space<hbm>>)
        tpu.yield
      }) : () -> ()
      "tpu.region"() ({
        %run_scoped3A = tpu.sem_alloc : memref<!tpu.dma_semaphore, #tpu.memory_space<semaphore_mem>>
        %dma_start3A_137 = arith.constant 0 : i32
        %dma_start3A_138 = tpu.memref_slice %arg9[%add3A_75, %dma_start3A_137] : memref<320000x128xf32, #tpu.memory_space<hbm>> -> memref<80x128xf32, #tpu.memory_space<hbm>>
        %dma_start3A_139 = arith.constant 0 : i32
        %dma_start3A_140 = tpu.memref_slice %arg9[%add3A_75, %dma_start3A_139] : memref<320000x128xf32, #tpu.memory_space<hbm>> -> memref<80x128xf32, #tpu.memory_space<hbm>>
        tpu.enqueue_dma source(%arg14 : memref<80x128xf32, #tpu.memory_space<vmem>>) target(%dma_start3A_140 : memref<80x128xf32, #tpu.memory_space<hbm>>) target_semaphore(%run_scoped3A : memref<!tpu.dma_semaphore, #tpu.memory_space<semaphore_mem>>)
        %dma_wait3A_141 = arith.constant 0 : i32
        %dma_wait3A_142 = tpu.memref_slice %arg9[%add3A_75, %dma_wait3A_141] : memref<320000x128xf32, #tpu.memory_space<hbm>> -> memref<80x128xf32, #tpu.memory_space<hbm>>
        %dma_wait3A_143 = arith.constant 0 : i32
        %dma_wait3A_144 = tpu.memref_slice %arg9[%add3A_75, %dma_wait3A_143] : memref<320000x128xf32, #tpu.memory_space<hbm>> -> memref<80x128xf32, #tpu.memory_space<hbm>>
        tpu.wait_dma2 semaphore(%run_scoped3A : memref<!tpu.dma_semaphore, #tpu.memory_space<semaphore_mem>>) src(%arg14 : memref<80x128xf32, #tpu.memory_space<vmem>>) dst(%dma_wait3A_144 : memref<80x128xf32, #tpu.memory_space<hbm>>)
        tpu.yield
      }) : () -> ()
      %add3A_94 = arith.constant 2 : i32
      %add3A_95 = arith.addi %mul3A_52, %add3A_94 : i32
      %dma_start3A_96 = arith.constant 0 : i32
      %dma_start3A_97 = tpu.memref_slice %arg10[%add3A_95, %dma_start3A_96] : memref<125x80xi32, #tpu.memory_space<vmem>> -> memref<1x80xi32, #tpu.memory_space<vmem>>
      %dma_start3A_98 = tpu.memref_squeeze %dma_start3A_97 : memref<1x80xi32, #tpu.memory_space<vmem>> -> memref<80xi32, #tpu.memory_space<vmem>>
      %dma_start3A_99 = arith.constant 0 : i32
      %dma_start3A_100 = arith.constant 0 : i32
      %dma_start3A_101 = tpu.memref_slice %arg2[%dma_start3A_99, %dma_start3A_100] : memref<10000x128xf32, #tpu.memory_space<hbm>> -> memref<10000x128xf32, #tpu.memory_space<hbm>>
      tpu.enqueue_indirect_dma source(%dma_start3A_101 : memref<10000x128xf32, #tpu.memory_space<hbm>>) target(%arg12 : memref<80x128xf32, #tpu.memory_space<vmem>>) offsets(%dma_start3A_98 : memref<80xi32, #tpu.memory_space<vmem>>) semaphore(%arg18 : memref<!tpu.dma_semaphore, #tpu.memory_space<semaphore_mem>>)
      %dma_start3A_102 = arith.constant 0 : i32
      %dma_start3A_103 = tpu.memref_slice %arg11[%add3A_95, %dma_start3A_102] : memref<125x80xi32, #tpu.memory_space<vmem>> -> memref<1x80xi32, #tpu.memory_space<vmem>>
      %dma_start3A_104 = tpu.memref_squeeze %dma_start3A_103 : memref<1x80xi32, #tpu.memory_space<vmem>> -> memref<80xi32, #tpu.memory_space<vmem>>
      %dma_start3A_105 = arith.constant 0 : i32
      %dma_start3A_106 = arith.constant 0 : i32
      %dma_start3A_107 = tpu.memref_slice %arg3[%dma_start3A_105, %dma_start3A_106] : memref<10000x128xf32, #tpu.memory_space<hbm>> -> memref<10000x128xf32, #tpu.memory_space<hbm>>
      tpu.enqueue_indirect_dma source(%dma_start3A_107 : memref<10000x128xf32, #tpu.memory_space<hbm>>) target(%arg13 : memref<80x128xf32, #tpu.memory_space<vmem>>) offsets(%dma_start3A_104 : memref<80xi32, #tpu.memory_space<vmem>>) semaphore(%arg19 : memref<!tpu.dma_semaphore, #tpu.memory_space<semaphore_mem>>)
      %dma_start3A_108 = arith.constant 0 : i32
      %dma_start3A_109 = tpu.memref_slice %arg10[%add3A_95, %dma_start3A_108] : memref<125x80xi32, #tpu.memory_space<vmem>> -> memref<1x80xi32, #tpu.memory_space<vmem>>
      %dma_start3A_110 = tpu.memref_squeeze %dma_start3A_109 : memref<1x80xi32, #tpu.memory_space<vmem>> -> memref<80xi32, #tpu.memory_space<vmem>>
      %dma_start3A_111 = arith.constant 0 : i32
      %dma_start3A_112 = arith.constant 0 : i32
      %dma_start3A_113 = tpu.memref_slice %arg4[%dma_start3A_111, %dma_start3A_112] : memref<10000x128xf32, #tpu.memory_space<hbm>> -> memref<10000x128xf32, #tpu.memory_space<hbm>>
      tpu.enqueue_indirect_dma source(%dma_start3A_113 : memref<10000x128xf32, #tpu.memory_space<hbm>>) target(%arg14 : memref<80x128xf32, #tpu.memory_space<vmem>>) offsets(%dma_start3A_110 : memref<80xi32, #tpu.memory_space<vmem>>) semaphore(%arg20 : memref<!tpu.dma_semaphore, #tpu.memory_space<semaphore_mem>>)
      %add3A_114 = arith.constant 1 : i32
      %add3A_115 = arith.addi %mul3A_52, %add3A_114 : i32
      %mul3A_116 = arith.constant 80 : i32
      %mul3A_117 = arith.muli %add3A_115, %mul3A_116 : i32
      %add3A_118 = arith.addi %mul3A_2, %mul3A_117 : i32
      %dma_wait3A_119 = arith.constant 0 : i32
      %dma_wait3A_120 = tpu.memref_slice %arg10[%add3A_115, %dma_wait3A_119] : memref<125x80xi32, #tpu.memory_space<vmem>> -> memref<1x80xi32, #tpu.memory_space<vmem>>
      %dma_wait3A_121 = tpu.memref_squeeze %dma_wait3A_120 : memref<1x80xi32, #tpu.memory_space<vmem>> -> memref<80xi32, #tpu.memory_space<vmem>>
      %dma_wait3A_122 = arith.constant 0 : i32
      %dma_wait3A_123 = arith.constant 0 : i32
      %dma_wait3A_124 = tpu.memref_slice %arg2[%dma_wait3A_122, %dma_wait3A_123] : memref<10000x128xf32, #tpu.memory_space<hbm>> -> memref<10000x128xf32, #tpu.memory_space<hbm>>
      tpu.wait_indirect_dma semaphore(%arg21 : memref<!tpu.dma_semaphore, #tpu.memory_space<semaphore_mem>>) src(%dma_wait3A_124 : memref<10000x128xf32, #tpu.memory_space<hbm>>) dst(%arg15 : memref<80x128xf32, #tpu.memory_space<vmem>>)
      %dma_wait3A_125 = arith.constant 0 : i32
      %dma_wait3A_126 = tpu.memref_slice %arg11[%add3A_115, %dma_wait3A_125] : memref<125x80xi32, #tpu.memory_space<vmem>> -> memref<1x80xi32, #tpu.memory_space<vmem>>
      %dma_wait3A_127 = tpu.memref_squeeze %dma_wait3A_126 : memref<1x80xi32, #tpu.memory_space<vmem>> -> memref<80xi32, #tpu.memory_space<vmem>>
      %dma_wait3A_128 = arith.constant 0 : i32
      %dma_wait3A_129 = arith.constant 0 : i32
      %dma_wait3A_130 = tpu.memref_slice %arg3[%dma_wait3A_128, %dma_wait3A_129] : memref<10000x128xf32, #tpu.memory_space<hbm>> -> memref<10000x128xf32, #tpu.memory_space<hbm>>
      tpu.wait_indirect_dma semaphore(%arg22 : memref<!tpu.dma_semaphore, #tpu.memory_space<semaphore_mem>>) src(%dma_wait3A_130 : memref<10000x128xf32, #tpu.memory_space<hbm>>) dst(%arg16 : memref<80x128xf32, #tpu.memory_space<vmem>>)
      %dma_wait3A_131 = arith.constant 0 : i32
      %dma_wait3A_132 = tpu.memref_slice %arg10[%add3A_115, %dma_wait3A_131] : memref<125x80xi32, #tpu.memory_space<vmem>> -> memref<1x80xi32, #tpu.memory_space<vmem>>
      %dma_wait3A_133 = tpu.memref_squeeze %dma_wait3A_132 : memref<1x80xi32, #tpu.memory_space<vmem>> -> memref<80xi32, #tpu.memory_space<vmem>>
      %dma_wait3A_134 = arith.constant 0 : i32
      %dma_wait3A_135 = arith.constant 0 : i32
      %dma_wait3A_136 = tpu.memref_slice %arg4[%dma_wait3A_134, %dma_wait3A_135] : memref<10000x128xf32, #tpu.memory_space<hbm>> -> memref<10000x128xf32, #tpu.memory_space<hbm>>
      tpu.wait_indirect_dma semaphore(%arg23 : memref<!tpu.dma_semaphore, #tpu.memory_space<semaphore_mem>>) src(%dma_wait3A_136 : memref<10000x128xf32, #tpu.memory_space<hbm>>) dst(%arg17 : memref<80x128xf32, #tpu.memory_space<vmem>>)
      "tpu.region"() ({
        %run_scoped3A = tpu.sem_alloc : memref<!tpu.dma_semaphore, #tpu.memory_space<semaphore_mem>>
        %dma_start3A_137 = arith.constant 0 : i32
        %dma_start3A_138 = tpu.memref_slice %arg7[%add3A_118, %dma_start3A_137] : memref<320000x128xf32, #tpu.memory_space<hbm>> -> memref<80x128xf32, #tpu.memory_space<hbm>>
        %dma_start3A_139 = arith.constant 0 : i32
        %dma_start3A_140 = tpu.memref_slice %arg7[%add3A_118, %dma_start3A_139] : memref<320000x128xf32, #tpu.memory_space<hbm>> -> memref<80x128xf32, #tpu.memory_space<hbm>>
        tpu.enqueue_dma source(%arg15 : memref<80x128xf32, #tpu.memory_space<vmem>>) target(%dma_start3A_140 : memref<80x128xf32, #tpu.memory_space<hbm>>) target_semaphore(%run_scoped3A : memref<!tpu.dma_semaphore, #tpu.memory_space<semaphore_mem>>)
        %dma_wait3A_141 = arith.constant 0 : i32
        %dma_wait3A_142 = tpu.memref_slice %arg7[%add3A_118, %dma_wait3A_141] : memref<320000x128xf32, #tpu.memory_space<hbm>> -> memref<80x128xf32, #tpu.memory_space<hbm>>
        %dma_wait3A_143 = arith.constant 0 : i32
        %dma_wait3A_144 = tpu.memref_slice %arg7[%add3A_118, %dma_wait3A_143] : memref<320000x128xf32, #tpu.memory_space<hbm>> -> memref<80x128xf32, #tpu.memory_space<hbm>>
        tpu.wait_dma2 semaphore(%run_scoped3A : memref<!tpu.dma_semaphore, #tpu.memory_space<semaphore_mem>>) src(%arg15 : memref<80x128xf32, #tpu.memory_space<vmem>>) dst(%dma_wait3A_144 : memref<80x128xf32, #tpu.memory_space<hbm>>)
        tpu.yield
      }) : () -> ()
      "tpu.region"() ({
        %run_scoped3A = tpu.sem_alloc : memref<!tpu.dma_semaphore, #tpu.memory_space<semaphore_mem>>
        %dma_start3A_137 = arith.constant 0 : i32
        %dma_start3A_138 = tpu.memref_slice %arg8[%add3A_118, %dma_start3A_137] : memref<320000x128xf32, #tpu.memory_space<hbm>> -> memref<80x128xf32, #tpu.memory_space<hbm>>
        %dma_start3A_139 = arith.constant 0 : i32
        %dma_start3A_140 = tpu.memref_slice %arg8[%add3A_118, %dma_start3A_139] : memref<320000x128xf32, #tpu.memory_space<hbm>> -> memref<80x128xf32, #tpu.memory_space<hbm>>
        tpu.enqueue_dma source(%arg16 : memref<80x128xf32, #tpu.memory_space<vmem>>) target(%dma_start3A_140 : memref<80x128xf32, #tpu.memory_space<hbm>>) target_semaphore(%run_scoped3A : memref<!tpu.dma_semaphore, #tpu.memory_space<semaphore_mem>>)
        %dma_wait3A_141 = arith.constant 0 : i32
        %dma_wait3A_142 = tpu.memref_slice %arg8[%add3A_118, %dma_wait3A_141] : memref<320000x128xf32, #tpu.memory_space<hbm>> -> memref<80x128xf32, #tpu.memory_space<hbm>>
        %dma_wait3A_143 = arith.constant 0 : i32
        %dma_wait3A_144 = tpu.memref_slice %arg8[%add3A_118, %dma_wait3A_143] : memref<320000x128xf32, #tpu.memory_space<hbm>> -> memref<80x128xf32, #tpu.memory_space<hbm>>
        tpu.wait_dma2 semaphore(%run_scoped3A : memref<!tpu.dma_semaphore, #tpu.memory_space<semaphore_mem>>) src(%arg16 : memref<80x128xf32, #tpu.memory_space<vmem>>) dst(%dma_wait3A_144 : memref<80x128xf32, #tpu.memory_space<hbm>>)
        tpu.yield
      }) : () -> ()
      "tpu.region"() ({
        %run_scoped3A = tpu.sem_alloc : memref<!tpu.dma_semaphore, #tpu.memory_space<semaphore_mem>>
        %dma_start3A_137 = arith.constant 0 : i32
        %dma_start3A_138 = tpu.memref_slice %arg9[%add3A_118, %dma_start3A_137] : memref<320000x128xf32, #tpu.memory_space<hbm>> -> memref<80x128xf32, #tpu.memory_space<hbm>>
        %dma_start3A_139 = arith.constant 0 : i32
        %dma_start3A_140 = tpu.memref_slice %arg9[%add3A_118, %dma_start3A_139] : memref<320000x128xf32, #tpu.memory_space<hbm>> -> memref<80x128xf32, #tpu.memory_space<hbm>>
        tpu.enqueue_dma source(%arg17 : memref<80x128xf32, #tpu.memory_space<vmem>>) target(%dma_start3A_140 : memref<80x128xf32, #tpu.memory_space<hbm>>) target_semaphore(%run_scoped3A : memref<!tpu.dma_semaphore, #tpu.memory_space<semaphore_mem>>)
        %dma_wait3A_141 = arith.constant 0 : i32
        %dma_wait3A_142 = tpu.memref_slice %arg9[%add3A_118, %dma_wait3A_141] : memref<320000x128xf32, #tpu.memory_space<hbm>> -> memref<80x128xf32, #tpu.memory_space<hbm>>
        %dma_wait3A_143 = arith.constant 0 : i32
        %dma_wait3A_144 = tpu.memref_slice %arg9[%add3A_118, %dma_wait3A_143] : memref<320000x128xf32, #tpu.memory_space<hbm>> -> memref<80x128xf32, #tpu.memory_space<hbm>>
        tpu.wait_dma2 semaphore(%run_scoped3A : memref<!tpu.dma_semaphore, #tpu.memory_space<semaphore_mem>>) src(%arg17 : memref<80x128xf32, #tpu.memory_space<vmem>>) dst(%dma_wait3A_144 : memref<80x128xf32, #tpu.memory_space<hbm>>)
        tpu.yield
      }) : () -> ()
    }
    %scan3A_27 = arith.constant 62 : i32
    %add3A_28 = arith.constant 9920 : i32
    %add3A_29 = arith.addi %mul3A_2, %add3A_28 : i32
    %dma_wait3A = arith.constant 124 : i32
    %dma_wait3A_30 = arith.constant 0 : i32
    %dma_wait3A_31 = tpu.memref_slice %arg10[%dma_wait3A, %dma_wait3A_30] : memref<125x80xi32, #tpu.memory_space<vmem>> -> memref<1x80xi32, #tpu.memory_space<vmem>>
    %dma_wait3A_32 = tpu.memref_squeeze %dma_wait3A_31 : memref<1x80xi32, #tpu.memory_space<vmem>> -> memref<80xi32, #tpu.memory_space<vmem>>
    %dma_wait3A_33 = arith.constant 0 : i32
    %dma_wait3A_34 = arith.constant 0 : i32
    %dma_wait3A_35 = tpu.memref_slice %arg2[%dma_wait3A_33, %dma_wait3A_34] : memref<10000x128xf32, #tpu.memory_space<hbm>> -> memref<10000x128xf32, #tpu.memory_space<hbm>>
    tpu.wait_indirect_dma semaphore(%arg18 : memref<!tpu.dma_semaphore, #tpu.memory_space<semaphore_mem>>) src(%dma_wait3A_35 : memref<10000x128xf32, #tpu.memory_space<hbm>>) dst(%arg12 : memref<80x128xf32, #tpu.memory_space<vmem>>)
    %dma_wait3A_36 = arith.constant 124 : i32
    %dma_wait3A_37 = arith.constant 0 : i32
    %dma_wait3A_38 = tpu.memref_slice %arg11[%dma_wait3A_36, %dma_wait3A_37] : memref<125x80xi32, #tpu.memory_space<vmem>> -> memref<1x80xi32, #tpu.memory_space<vmem>>
    %dma_wait3A_39 = tpu.memref_squeeze %dma_wait3A_38 : memref<1x80xi32, #tpu.memory_space<vmem>> -> memref<80xi32, #tpu.memory_space<vmem>>
    %dma_wait3A_40 = arith.constant 0 : i32
    %dma_wait3A_41 = arith.constant 0 : i32
    %dma_wait3A_42 = tpu.memref_slice %arg3[%dma_wait3A_40, %dma_wait3A_41] : memref<10000x128xf32, #tpu.memory_space<hbm>> -> memref<10000x128xf32, #tpu.memory_space<hbm>>
    tpu.wait_indirect_dma semaphore(%arg19 : memref<!tpu.dma_semaphore, #tpu.memory_space<semaphore_mem>>) src(%dma_wait3A_42 : memref<10000x128xf32, #tpu.memory_space<hbm>>) dst(%arg13 : memref<80x128xf32, #tpu.memory_space<vmem>>)
    %dma_wait3A_43 = arith.constant 124 : i32
    %dma_wait3A_44 = arith.constant 0 : i32
    %dma_wait3A_45 = tpu.memref_slice %arg10[%dma_wait3A_43, %dma_wait3A_44] : memref<125x80xi32, #tpu.memory_space<vmem>> -> memref<1x80xi32, #tpu.memory_space<vmem>>
    %dma_wait3A_46 = tpu.memref_squeeze %dma_wait3A_45 : memref<1x80xi32, #tpu.memory_space<vmem>> -> memref<80xi32, #tpu.memory_space<vmem>>
    %dma_wait3A_47 = arith.constant 0 : i32
    %dma_wait3A_48 = arith.constant 0 : i32
    %dma_wait3A_49 = tpu.memref_slice %arg4[%dma_wait3A_47, %dma_wait3A_48] : memref<10000x128xf32, #tpu.memory_space<hbm>> -> memref<10000x128xf32, #tpu.memory_space<hbm>>
    tpu.wait_indirect_dma semaphore(%arg20 : memref<!tpu.dma_semaphore, #tpu.memory_space<semaphore_mem>>) src(%dma_wait3A_49 : memref<10000x128xf32, #tpu.memory_space<hbm>>) dst(%arg14 : memref<80x128xf32, #tpu.memory_space<vmem>>)
    "tpu.region"() ({
      %run_scoped3A = tpu.sem_alloc : memref<!tpu.dma_semaphore, #tpu.memory_space<semaphore_mem>>
      %dma_start3A_50 = arith.constant 0 : i32
      %dma_start3A_51 = tpu.memref_slice %arg7[%add3A_29, %dma_start3A_50] : memref<320000x128xf32, #tpu.memory_space<hbm>> -> memref<80x128xf32, #tpu.memory_space<hbm>>
      %dma_start3A_52 = arith.constant 0 : i32
      %dma_start3A_53 = tpu.memref_slice %arg7[%add3A_29, %dma_start3A_52] : memref<320000x128xf32, #tpu.memory_space<hbm>> -> memref<80x128xf32, #tpu.memory_space<hbm>>
      tpu.enqueue_dma source(%arg12 : memref<80x128xf32, #tpu.memory_space<vmem>>) target(%dma_start3A_53 : memref<80x128xf32, #tpu.memory_space<hbm>>) target_semaphore(%run_scoped3A : memref<!tpu.dma_semaphore, #tpu.memory_space<semaphore_mem>>)
      %dma_wait3A_54 = arith.constant 0 : i32
      %dma_wait3A_55 = tpu.memref_slice %arg7[%add3A_29, %dma_wait3A_54] : memref<320000x128xf32, #tpu.memory_space<hbm>> -> memref<80x128xf32, #tpu.memory_space<hbm>>
      %dma_wait3A_56 = arith.constant 0 : i32
      %dma_wait3A_57 = tpu.memref_slice %arg7[%add3A_29, %dma_wait3A_56] : memref<320000x128xf32, #tpu.memory_space<hbm>> -> memref<80x128xf32, #tpu.memory_space<hbm>>
      tpu.wait_dma2 semaphore(%run_scoped3A : memref<!tpu.dma_semaphore, #tpu.memory_space<semaphore_mem>>) src(%arg12 : memref<80x128xf32, #tpu.memory_space<vmem>>) dst(%dma_wait3A_57 : memref<80x128xf32, #tpu.memory_space<hbm>>)
      tpu.yield
    }) : () -> ()
    "tpu.region"() ({
      %run_scoped3A = tpu.sem_alloc : memref<!tpu.dma_semaphore, #tpu.memory_space<semaphore_mem>>
      %dma_start3A_50 = arith.constant 0 : i32
      %dma_start3A_51 = tpu.memref_slice %arg8[%add3A_29, %dma_start3A_50] : memref<320000x128xf32, #tpu.memory_space<hbm>> -> memref<80x128xf32, #tpu.memory_space<hbm>>
      %dma_start3A_52 = arith.constant 0 : i32
      %dma_start3A_53 = tpu.memref_slice %arg8[%add3A_29, %dma_start3A_52] : memref<320000x128xf32, #tpu.memory_space<hbm>> -> memref<80x128xf32, #tpu.memory_space<hbm>>
      tpu.enqueue_dma source(%arg13 : memref<80x128xf32, #tpu.memory_space<vmem>>) target(%dma_start3A_53 : memref<80x128xf32, #tpu.memory_space<hbm>>) target_semaphore(%run_scoped3A : memref<!tpu.dma_semaphore, #tpu.memory_space<semaphore_mem>>)
      %dma_wait3A_54 = arith.constant 0 : i32
      %dma_wait3A_55 = tpu.memref_slice %arg8[%add3A_29, %dma_wait3A_54] : memref<320000x128xf32, #tpu.memory_space<hbm>> -> memref<80x128xf32, #tpu.memory_space<hbm>>
      %dma_wait3A_56 = arith.constant 0 : i32
      %dma_wait3A_57 = tpu.memref_slice %arg8[%add3A_29, %dma_wait3A_56] : memref<320000x128xf32, #tpu.memory_space<hbm>> -> memref<80x128xf32, #tpu.memory_space<hbm>>
      tpu.wait_dma2 semaphore(%run_scoped3A : memref<!tpu.dma_semaphore, #tpu.memory_space<semaphore_mem>>) src(%arg13 : memref<80x128xf32, #tpu.memory_space<vmem>>) dst(%dma_wait3A_57 : memref<80x128xf32, #tpu.memory_space<hbm>>)
      tpu.yield
    }) : () -> ()
    "tpu.region"() ({
      %run_scoped3A = tpu.sem_alloc : memref<!tpu.dma_semaphore, #tpu.memory_space<semaphore_mem>>
      %dma_start3A_50 = arith.constant 0 : i32
      %dma_start3A_51 = tpu.memref_slice %arg9[%add3A_29, %dma_start3A_50] : memref<320000x128xf32, #tpu.memory_space<hbm>> -> memref<80x128xf32, #tpu.memory_space<hbm>>
      %dma_start3A_52 = arith.constant 0 : i32
      %dma_start3A_53 = tpu.memref_slice %arg9[%add3A_29, %dma_start3A_52] : memref<320000x128xf32, #tpu.memory_space<hbm>> -> memref<80x128xf32, #tpu.memory_space<hbm>>
      tpu.enqueue_dma source(%arg14 : memref<80x128xf32, #tpu.memory_space<vmem>>) target(%dma_start3A_53 : memref<80x128xf32, #tpu.memory_space<hbm>>) target_semaphore(%run_scoped3A : memref<!tpu.dma_semaphore, #tpu.memory_space<semaphore_mem>>)
      %dma_wait3A_54 = arith.constant 0 : i32
      %dma_wait3A_55 = tpu.memref_slice %arg9[%add3A_29, %dma_wait3A_54] : memref<320000x128xf32, #tpu.memory_space<hbm>> -> memref<80x128xf32, #tpu.memory_space<hbm>>
      %dma_wait3A_56 = arith.constant 0 : i32
      %dma_wait3A_57 = tpu.memref_slice %arg9[%add3A_29, %dma_wait3A_56] : memref<320000x128xf32, #tpu.memory_space<hbm>> -> memref<80x128xf32, #tpu.memory_space<hbm>>
      tpu.wait_dma2 semaphore(%run_scoped3A : memref<!tpu.dma_semaphore, #tpu.memory_space<semaphore_mem>>) src(%arg14 : memref<80x128xf32, #tpu.memory_space<vmem>>) dst(%dma_wait3A_57 : memref<80x128xf32, #tpu.memory_space<hbm>>)
      tpu.yield
    }) : () -> ()
    return
  }
}

module attributes {stable_mosaic.version = 14 : i64} {
  func.func @_qkv_body(%arg0: i32, %arg1: memref<1000x128xf32, #tpu.memory_space<vmem>>, %arg2: memref<128x128xf32, #tpu.memory_space<vmem>>, %arg3: memref<1x128xf32, #tpu.memory_space<vmem>>, %arg4: memref<128x128xf32, #tpu.memory_space<vmem>>, %arg5: memref<1x128xf32, #tpu.memory_space<vmem>>, %arg6: memref<128x128xf32, #tpu.memory_space<vmem>>, %arg7: memref<1x128xf32, #tpu.memory_space<vmem>>, %arg8: memref<1000x128xf32, #tpu.memory_space<vmem>>, %arg9: memref<1000x128xf32, #tpu.memory_space<vmem>>, %arg10: memref<1000x128xf32, #tpu.memory_space<vmem>>) attributes {dimension_semantics = [#tpu.dimension_semantics<parallel>], iteration_bounds = array<i64: 10>, scalar_prefetch = 0 : i64, scratch_operands = 0 : i64, tpu.core_type = #tpu.core_type<tc>, window_params = [{transform_indices = @transform_0, window_bounds = array<i64: 1000, 128>}, {pipeline_mode = #tpu.pipeline_mode<synchronous>, transform_indices = @transform_1, window_bounds = array<i64: 128, 128>}, {pipeline_mode = #tpu.pipeline_mode<synchronous>, transform_indices = @transform_2, window_bounds = array<i64: 1, 128>}, {pipeline_mode = #tpu.pipeline_mode<synchronous>, transform_indices = @transform_3, window_bounds = array<i64: 128, 128>}, {pipeline_mode = #tpu.pipeline_mode<synchronous>, transform_indices = @transform_4, window_bounds = array<i64: 1, 128>}, {pipeline_mode = #tpu.pipeline_mode<synchronous>, transform_indices = @transform_5, window_bounds = array<i64: 128, 128>}, {pipeline_mode = #tpu.pipeline_mode<synchronous>, transform_indices = @transform_6, window_bounds = array<i64: 1, 128>}, {transform_indices = @transform_7, window_bounds = array<i64: 1000, 128>}, {transform_indices = @transform_8, window_bounds = array<i64: 1000, 128>}, {transform_indices = @transform_9, window_bounds = array<i64: 1000, 128>}]} {
    %get3A = arith.constant 0 : index
    %get3A_0 = arith.constant 0 : index
    %get3A_1 = vector.load %arg1[%get3A, %get3A_0] : memref<1000x128xf32, #tpu.memory_space<vmem>>, vector<1000x128xf32>
    %get3A_2 = arith.constant 0 : index
    %get3A_3 = arith.constant 0 : index
    %get3A_4 = vector.load %arg2[%get3A_2, %get3A_3] : memref<128x128xf32, #tpu.memory_space<vmem>>, vector<128x128xf32>
    %dot_general3A = arith.constant dense<0.000000e+00> : vector<1000x128xf32>
    %dot_general3A_5 = tpu.matmul %get3A_1, %get3A_4, %dot_general3A {dimension_numbers = #tpu.dot_dimension_numbers<[1], [0], [0], [1], [0, 0, 1, 1], [], []>, transpose_lhs_hint = false} : vector<1000x128xf32>, vector<128x128xf32>, vector<1000x128xf32> -> vector<1000x128xf32>
    %get3A_6 = arith.constant 0 : index
    %get3A_7 = arith.constant 0 : index
    %get3A_8 = vector.load %arg3[%get3A_6, %get3A_7] : memref<1x128xf32, #tpu.memory_space<vmem>>, vector<1x128xf32>
    %add3A = vector.broadcast %get3A_8 : vector<1x128xf32> to vector<1000x128xf32>
    %add3A_9 = arith.addf %dot_general3A_5, %add3A : vector<1000x128xf32>
    %swap3A = arith.constant 0 : index
    %swap3A_10 = arith.constant 0 : index
    %swap3A_11 = vector.load %arg8[%swap3A, %swap3A_10] : memref<1000x128xf32, #tpu.memory_space<vmem>>, vector<1000x128xf32>
    tpu.vector_store %arg8[%swap3A, %swap3A_10], %add3A_9 {strides = array<i32>} : memref<1000x128xf32, #tpu.memory_space<vmem>>, vector<1000x128xf32>,
    %get3A_12 = arith.constant 0 : index
    %get3A_13 = arith.constant 0 : index
    %get3A_14 = vector.load %arg4[%get3A_12, %get3A_13] : memref<128x128xf32, #tpu.memory_space<vmem>>, vector<128x128xf32>
    %dot_general3A_15 = arith.constant dense<0.000000e+00> : vector<1000x128xf32>
    %dot_general3A_16 = tpu.matmul %get3A_1, %get3A_14, %dot_general3A_15 {dimension_numbers = #tpu.dot_dimension_numbers<[1], [0], [0], [1], [0, 0, 1, 1], [], []>, transpose_lhs_hint = false} : vector<1000x128xf32>, vector<128x128xf32>, vector<1000x128xf32> -> vector<1000x128xf32>
    %get3A_17 = arith.constant 0 : index
    %get3A_18 = arith.constant 0 : index
    %get3A_19 = vector.load %arg5[%get3A_17, %get3A_18] : memref<1x128xf32, #tpu.memory_space<vmem>>, vector<1x128xf32>
    %add3A_20 = vector.broadcast %get3A_19 : vector<1x128xf32> to vector<1000x128xf32>
    %add3A_21 = arith.addf %dot_general3A_16, %add3A_20 : vector<1000x128xf32>
    %swap3A_22 = arith.constant 0 : index
    %swap3A_23 = arith.constant 0 : index
    %swap3A_24 = vector.load %arg9[%swap3A_22, %swap3A_23] : memref<1000x128xf32, #tpu.memory_space<vmem>>, vector<1000x128xf32>
    tpu.vector_store %arg9[%swap3A_22, %swap3A_23], %add3A_21 {strides = array<i32>} : memref<1000x128xf32, #tpu.memory_space<vmem>>, vector<1000x128xf32>,
    %get3A_25 = arith.constant 0 : index
    %get3A_26 = arith.constant 0 : index
    %get3A_27 = vector.load %arg6[%get3A_25, %get3A_26] : memref<128x128xf32, #tpu.memory_space<vmem>>, vector<128x128xf32>
    %dot_general3A_28 = arith.constant dense<0.000000e+00> : vector<1000x128xf32>
    %dot_general3A_29 = tpu.matmul %get3A_1, %get3A_27, %dot_general3A_28 {dimension_numbers = #tpu.dot_dimension_numbers<[1], [0], [0], [1], [0, 0, 1, 1], [], []>, transpose_lhs_hint = false} : vector<1000x128xf32>, vector<128x128xf32>, vector<1000x128xf32> -> vector<1000x128xf32>
    %get3A_30 = arith.constant 0 : index
    %get3A_31 = arith.constant 0 : index
    %get3A_32 = vector.load %arg7[%get3A_30, %get3A_31] : memref<1x128xf32, #tpu.memory_space<vmem>>, vector<1x128xf32>
    %add3A_33 = vector.broadcast %get3A_32 : vector<1x128xf32> to vector<1000x128xf32>
    %add3A_34 = arith.addf %dot_general3A_29, %add3A_33 : vector<1000x128xf32>
    %swap3A_35 = arith.constant 0 : index
    %swap3A_36 = arith.constant 0 : index
    %swap3A_37 = vector.load %arg10[%swap3A_35, %swap3A_36] : memref<1000x128xf32, #tpu.memory_space<vmem>>, vector<1000x128xf32>
    tpu.vector_store %arg10[%swap3A_35, %swap3A_36], %add3A_34 {strides = array<i32>} : memref<1000x128xf32, #tpu.memory_space<vmem>>, vector<1000x128xf32>,
    return
  }
  func.func @transform_0(%arg0: i32) -> (i32, i32) {
    %c0_i32 = arith.constant 0 : i32
    %c0_i32_0 = arith.constant 0 : i32
    return %arg0, %c0_i32 : i32, i32
  }
  func.func @transform_1(%arg0: i32) -> (i32, i32) {
    %c0_i32 = arith.constant 0 : i32
    %c0_i32_0 = arith.constant 0 : i32
    %c0_i32_1 = arith.constant 0 : i32
    return %c0_i32, %c0_i32_0 : i32, i32
  }
  func.func @transform_2(%arg0: i32) -> (i32, i32) {
    %c0_i32 = arith.constant 0 : i32
    %c0_i32_0 = arith.constant 0 : i32
    %c0_i32_1 = arith.constant 0 : i32
    return %c0_i32, %c0_i32_0 : i32, i32
  }
  func.func @transform_3(%arg0: i32) -> (i32, i32) {
    %c0_i32 = arith.constant 0 : i32
    %c0_i32_0 = arith.constant 0 : i32
    %c0_i32_1 = arith.constant 0 : i32
    return %c0_i32, %c0_i32_0 : i32, i32
  }
  func.func @transform_4(%arg0: i32) -> (i32, i32) {
    %c0_i32 = arith.constant 0 : i32
    %c0_i32_0 = arith.constant 0 : i32
    %c0_i32_1 = arith.constant 0 : i32
    return %c0_i32, %c0_i32_0 : i32, i32
  }
  func.func @transform_5(%arg0: i32) -> (i32, i32) {
    %c0_i32 = arith.constant 0 : i32
    %c0_i32_0 = arith.constant 0 : i32
    %c0_i32_1 = arith.constant 0 : i32
    return %c0_i32, %c0_i32_0 : i32, i32
  }
  func.func @transform_6(%arg0: i32) -> (i32, i32) {
    %c0_i32 = arith.constant 0 : i32
    %c0_i32_0 = arith.constant 0 : i32
    %c0_i32_1 = arith.constant 0 : i32
    return %c0_i32, %c0_i32_0 : i32, i32
  }
  func.func @transform_7(%arg0: i32) -> (i32, i32) {
    %c0_i32 = arith.constant 0 : i32
    %c0_i32_0 = arith.constant 0 : i32
    return %arg0, %c0_i32 : i32, i32
  }
  func.func @transform_8(%arg0: i32) -> (i32, i32) {
    %c0_i32 = arith.constant 0 : i32
    %c0_i32_0 = arith.constant 0 : i32
    return %arg0, %c0_i32 : i32, i32
  }
  func.func @transform_9(%arg0: i32) -> (i32, i32) {
    %c0_i32 = arith.constant 0 : i32
    %c0_i32_0 = arith.constant 0 : i32
    return %arg0, %c0_i32 : i32, i32
  }
}

module attributes {stable_mosaic.version = 14 : i64} {
  func.func @_edge_body(%arg0: i32, %arg1: memref<1280x128xf32, #tpu.memory_space<vmem>>, %arg2: memref<1280x128xf32, #tpu.memory_space<vmem>>, %arg3: memref<1280x128xf32, #tpu.memory_space<vmem>>, %arg4: memref<1280x128xf32, #tpu.memory_space<vmem>>, %arg5: memref<128x128xf32, #tpu.memory_space<vmem>>, %arg6: memref<1x128xf32, #tpu.memory_space<vmem>>, %arg7: memref<128x128xf32, #tpu.memory_space<vmem>>, %arg8: memref<1x128xf32, #tpu.memory_space<vmem>>, %arg9: memref<1x128xf32, #tpu.memory_space<vmem>>, %arg10: memref<1x128xf32, #tpu.memory_space<vmem>>, %arg11: memref<128x128xf32, #tpu.memory_space<vmem>>, %arg12: memref<128x128xf32, #tpu.memory_space<vmem>>, %arg13: memref<1280x128xf32, #tpu.memory_space<vmem>>, %arg14: memref<1280x128xf32, #tpu.memory_space<vmem>>) attributes {dimension_semantics = [#tpu.dimension_semantics<parallel>], iteration_bounds = array<i64: 250>, scalar_prefetch = 0 : i64, scratch_operands = 0 : i64, tpu.core_type = #tpu.core_type<tc>, window_params = [{transform_indices = @transform_0, window_bounds = array<i64: 1280, 128>}, {transform_indices = @transform_1, window_bounds = array<i64: 1280, 128>}, {transform_indices = @transform_2, window_bounds = array<i64: 1280, 128>}, {transform_indices = @transform_3, window_bounds = array<i64: 1280, 128>}, {pipeline_mode = #tpu.pipeline_mode<synchronous>, transform_indices = @transform_4, window_bounds = array<i64: 128, 128>}, {pipeline_mode = #tpu.pipeline_mode<synchronous>, transform_indices = @transform_5, window_bounds = array<i64: 1, 128>}, {pipeline_mode = #tpu.pipeline_mode<synchronous>, transform_indices = @transform_6, window_bounds = array<i64: 128, 128>}, {pipeline_mode = #tpu.pipeline_mode<synchronous>, transform_indices = @transform_7, window_bounds = array<i64: 1, 128>}, {pipeline_mode = #tpu.pipeline_mode<synchronous>, transform_indices = @transform_8, window_bounds = array<i64: 1, 128>}, {pipeline_mode = #tpu.pipeline_mode<synchronous>, transform_indices = @transform_9, window_bounds = array<i64: 1, 128>}, {pipeline_mode = #tpu.pipeline_mode<synchronous>, transform_indices = @transform_10, window_bounds = array<i64: 128, 128>}, {pipeline_mode = #tpu.pipeline_mode<synchronous>, transform_indices = @transform_11, window_bounds = array<i64: 128, 128>}, {transform_indices = @transform_12, window_bounds = array<i64: 1280, 128>}, {transform_indices = @transform_13, window_bounds = array<i64: 1280, 128>}]} {
    %get3A = arith.constant 0 : index
    %get3A_0 = arith.constant 0 : index
    %get3A_1 = vector.load %arg1[%get3A, %get3A_0] : memref<1280x128xf32, #tpu.memory_space<vmem>>, vector<1280x128xf32>
    %get3A_2 = arith.constant 0 : index
    %get3A_3 = arith.constant 0 : index
    %get3A_4 = vector.load %arg5[%get3A_2, %get3A_3] : memref<128x128xf32, #tpu.memory_space<vmem>>, vector<128x128xf32>
    %dot_general3A = arith.constant dense<0.000000e+00> : vector<1280x128xf32>
    %dot_general3A_5 = tpu.matmul %get3A_1, %get3A_4, %dot_general3A {dimension_numbers = #tpu.dot_dimension_numbers<[1], [0], [0], [1], [0, 0, 1, 1], [], []>, transpose_lhs_hint = false} : vector<1280x128xf32>, vector<128x128xf32>, vector<1280x128xf32> -> vector<1280x128xf32>
    %get3A_6 = arith.constant 0 : index
    %get3A_7 = arith.constant 0 : index
    %get3A_8 = vector.load %arg6[%get3A_6, %get3A_7] : memref<1x128xf32, #tpu.memory_space<vmem>>, vector<1x128xf32>
    %add3A = vector.broadcast %get3A_8 : vector<1x128xf32> to vector<1280x128xf32>
    %add3A_9 = arith.addf %dot_general3A_5, %add3A : vector<1280x128xf32>
    %get3A_10 = arith.constant 0 : index
    %get3A_11 = arith.constant 0 : index
    %get3A_12 = vector.load %arg2[%get3A_10, %get3A_11] : memref<1280x128xf32, #tpu.memory_space<vmem>>, vector<1280x128xf32>
    %get3A_13 = arith.constant 0 : index
    %get3A_14 = arith.constant 0 : index
    %get3A_15 = vector.load %arg3[%get3A_13, %get3A_14] : memref<1280x128xf32, #tpu.memory_space<vmem>>, vector<1280x128xf32>
    %mul3A = arith.mulf %get3A_12, %get3A_15 : vector<1280x128xf32>
    %get3A_16 = arith.constant 0 : index
    %get3A_17 = arith.constant 0 : index
    %get3A_18 = vector.load %arg11[%get3A_16, %get3A_17] : memref<128x128xf32, #tpu.memory_space<vmem>>, vector<128x128xf32>
    %dot_general3A_19 = arith.constant dense<0.000000e+00> : vector<1280x128xf32>
    %dot_general3A_20 = tpu.matmul %mul3A, %get3A_18, %dot_general3A_19 {dimension_numbers = #tpu.dot_dimension_numbers<[1], [0], [0], [1], [0, 0, 1, 1], [], []>, transpose_lhs_hint = false} : vector<1280x128xf32>, vector<128x128xf32>, vector<1280x128xf32> -> vector<1280x128xf32>
    %mul3A_21 = arith.constant 0.176776692 : f32
    %mul3A_22 = vector.broadcast %mul3A_21 : f32 to vector<1280x128xf32>
    %mul3A_23 = arith.mulf %dot_general3A_20, %mul3A_22 : vector<1280x128xf32>
    %add3A_24 = arith.addf %mul3A_23, %add3A_9 : vector<1280x128xf32>
    %roll3A = arith.constant 32 : i32
    %roll3A_25 = tpu.dynamic_rotate %add3A_24 by %roll3A dim 1 : vector<1280x128xf32>, i32 -> vector<1280x128xf32>
    %max3A = arith.maximumf %add3A_24, %roll3A_25 : vector<1280x128xf32>
    %roll3A_26 = arith.constant 64 : i32
    %roll3A_27 = tpu.dynamic_rotate %max3A by %roll3A_26 dim 1 : vector<1280x128xf32>, i32 -> vector<1280x128xf32>
    %max3A_28 = arith.maximumf %max3A, %roll3A_27 : vector<1280x128xf32>
    %sub3A = arith.subf %add3A_24, %max3A_28 : vector<1280x128xf32>
    %exp3A = math.exp %sub3A : vector<1280x128xf32>
    %get3A_29 = arith.constant 0 : index
    %get3A_30 = arith.constant 0 : index
    %get3A_31 = vector.load %arg12[%get3A_29, %get3A_30] : memref<128x128xf32, #tpu.memory_space<vmem>>, vector<128x128xf32>
    %dot_general3A_32 = arith.constant dense<0.000000e+00> : vector<1280x128xf32>
    %dot_general3A_33 = tpu.matmul %exp3A, %get3A_31, %dot_general3A_32 {dimension_numbers = #tpu.dot_dimension_numbers<[1], [0], [0], [1], [0, 0, 1, 1], [], []>, transpose_lhs_hint = false} : vector<1280x128xf32>, vector<128x128xf32>, vector<1280x128xf32> -> vector<1280x128xf32>
    %get3A_34 = arith.constant 0 : index
    %get3A_35 = arith.constant 0 : index
    %get3A_36 = vector.load %arg4[%get3A_34, %get3A_35] : memref<1280x128xf32, #tpu.memory_space<vmem>>, vector<1280x128xf32>
    %div3A = arith.divf %exp3A, %dot_general3A_33 : vector<1280x128xf32>
    %mul3A_37 = arith.mulf %get3A_36, %div3A : vector<1280x128xf32>
    %swap3A = arith.constant 0 : index
    %swap3A_38 = arith.constant 0 : index
    %swap3A_39 = vector.load %arg13[%swap3A, %swap3A_38] : memref<1280x128xf32, #tpu.memory_space<vmem>>, vector<1280x128xf32>
    tpu.vector_store %arg13[%swap3A, %swap3A_38], %mul3A_37 {strides = array<i32>} : memref<1280x128xf32, #tpu.memory_space<vmem>>, vector<1280x128xf32>,
    %reduce_sum3A = arith.constant dense<0.000000e+00> : vector<1280xf32>
    %reduce_sum3A_40 = vector.multi_reduction <add>, %add3A_24, %reduce_sum3A [1] : vector<1280x128xf32> to vector<1280xf32>
    %broadcast_in_dim3A = vector.shape_cast %reduce_sum3A_40 : vector<1280xf32> to vector<1280x1xf32>
    %div3A_41 = arith.constant 1.280000e+02 : f32
    %div3A_42 = vector.broadcast %div3A_41 : f32 to vector<1280x1xf32>
    %div3A_43 = arith.divf %broadcast_in_dim3A, %div3A_42 : vector<1280x1xf32>
    %sub3A_44 = vector.broadcast %div3A_43 : vector<1280x1xf32> to vector<1280x128xf32>
    %sub3A_45 = arith.subf %add3A_24, %sub3A_44 : vector<1280x128xf32>
    %mul3A_46 = arith.mulf %sub3A_45, %sub3A_45 : vector<1280x128xf32>
    %reduce_sum3A_47 = arith.constant dense<0.000000e+00> : vector<1280xf32>
    %reduce_sum3A_48 = vector.multi_reduction <add>, %mul3A_46, %reduce_sum3A_47 [1] : vector<1280x128xf32> to vector<1280xf32>
    %broadcast_in_dim3A_49 = vector.shape_cast %reduce_sum3A_48 : vector<1280xf32> to vector<1280x1xf32>
    %div3A_50 = arith.constant 1.280000e+02 : f32
    %div3A_51 = vector.broadcast %div3A_50 : f32 to vector<1280x1xf32>
    %div3A_52 = arith.divf %broadcast_in_dim3A_49, %div3A_51 : vector<1280x1xf32>
    %add3A_53 = arith.constant 9.99999974E-6 : f32
    %add3A_54 = vector.broadcast %add3A_53 : f32 to vector<1280x1xf32>
    %add3A_55 = arith.addf %div3A_52, %add3A_54 : vector<1280x1xf32>
    %rsqrt3A = math.rsqrt %add3A_55 : vector<1280x1xf32>
    %mul3A_56 = vector.broadcast %rsqrt3A : vector<1280x1xf32> to vector<1280x128xf32>
    %mul3A_57 = arith.mulf %sub3A_45, %mul3A_56 : vector<1280x128xf32>
    %get3A_58 = arith.constant 0 : index
    %get3A_59 = arith.constant 0 : index
    %get3A_60 = vector.load %arg9[%get3A_58, %get3A_59] : memref<1x128xf32, #tpu.memory_space<vmem>>, vector<1x128xf32>
    %mul3A_61 = vector.broadcast %get3A_60 : vector<1x128xf32> to vector<1280x128xf32>
    %mul3A_62 = arith.mulf %mul3A_57, %mul3A_61 : vector<1280x128xf32>
    %get3A_63 = arith.constant 0 : index
    %get3A_64 = arith.constant 0 : index
    %get3A_65 = vector.load %arg10[%get3A_63, %get3A_64] : memref<1x128xf32, #tpu.memory_space<vmem>>, vector<1x128xf32>
    %add3A_66 = vector.broadcast %get3A_65 : vector<1x128xf32> to vector<1280x128xf32>
    %add3A_67 = arith.addf %mul3A_62, %add3A_66 : vector<1280x128xf32>
    %neg3A = arith.constant 0.000000e+00 : f32
    %neg3A_68 = vector.broadcast %neg3A : f32 to vector<1280x128xf32>
    %neg3A_69 = arith.subf %neg3A_68, %add3A_67 : vector<1280x128xf32>
    %exp3A_70 = math.exp %neg3A_69 : vector<1280x128xf32>
    %add3A_71 = arith.constant 1.000000e+00 : f32
    %add3A_72 = vector.broadcast %add3A_71 : f32 to vector<1280x128xf32>
    %add3A_73 = arith.addf %add3A_72, %exp3A_70 : vector<1280x128xf32>
    %div3A_74 = arith.constant 1.000000e+00 : f32
    %div3A_75 = vector.broadcast %div3A_74 : f32 to vector<1280x128xf32>
    %div3A_76 = arith.divf %div3A_75, %add3A_73 : vector<1280x128xf32>
    %mul3A_77 = arith.mulf %add3A_67, %div3A_76 : vector<1280x128xf32>
    %get3A_78 = arith.constant 0 : index
    %get3A_79 = arith.constant 0 : index
    %get3A_80 = vector.load %arg7[%get3A_78, %get3A_79] : memref<128x128xf32, #tpu.memory_space<vmem>>, vector<128x128xf32>
    %dot_general3A_81 = arith.constant dense<0.000000e+00> : vector<1280x128xf32>
    %dot_general3A_82 = tpu.matmul %get3A_1, %get3A_80, %dot_general3A_81 {dimension_numbers = #tpu.dot_dimension_numbers<[1], [0], [0], [1], [0, 0, 1, 1], [], []>, transpose_lhs_hint = false} : vector<1280x128xf32>, vector<128x128xf32>, vector<1280x128xf32> -> vector<1280x128xf32>
    %get3A_83 = arith.constant 0 : index
    %get3A_84 = arith.constant 0 : index
    %get3A_85 = vector.load %arg8[%get3A_83, %get3A_84] : memref<1x128xf32, #tpu.memory_space<vmem>>, vector<1x128xf32>
    %add3A_86 = vector.broadcast %get3A_85 : vector<1x128xf32> to vector<1280x128xf32>
    %add3A_87 = arith.addf %dot_general3A_82, %add3A_86 : vector<1280x128xf32>
    %add3A_88 = arith.addf %add3A_87, %mul3A_77 : vector<1280x128xf32>
    %swap3A_89 = arith.constant 0 : index
    %swap3A_90 = arith.constant 0 : index
    %swap3A_91 = vector.load %arg14[%swap3A_89, %swap3A_90] : memref<1280x128xf32, #tpu.memory_space<vmem>>, vector<1280x128xf32>
    tpu.vector_store %arg14[%swap3A_89, %swap3A_90], %add3A_88 {strides = array<i32>} : memref<1280x128xf32, #tpu.memory_space<vmem>>, vector<1280x128xf32>,
    return
  }
  func.func @transform_0(%arg0: i32) -> (i32, i32) {
    %c0_i32 = arith.constant 0 : i32
    %c0_i32_0 = arith.constant 0 : i32
    return %arg0, %c0_i32 : i32, i32
  }
  func.func @transform_1(%arg0: i32) -> (i32, i32) {
    %c0_i32 = arith.constant 0 : i32
    %c0_i32_0 = arith.constant 0 : i32
    return %arg0, %c0_i32 : i32, i32
  }
  func.func @transform_2(%arg0: i32) -> (i32, i32) {
    %c0_i32 = arith.constant 0 : i32
    %c0_i32_0 = arith.constant 0 : i32
    return %arg0, %c0_i32 : i32, i32
  }
  func.func @transform_3(%arg0: i32) -> (i32, i32) {
    %c0_i32 = arith.constant 0 : i32
    %c0_i32_0 = arith.constant 0 : i32
    return %arg0, %c0_i32 : i32, i32
  }
  func.func @transform_4(%arg0: i32) -> (i32, i32) {
    %c0_i32 = arith.constant 0 : i32
    %c0_i32_0 = arith.constant 0 : i32
    %c0_i32_1 = arith.constant 0 : i32
    return %c0_i32, %c0_i32_0 : i32, i32
  }
  func.func @transform_5(%arg0: i32) -> (i32, i32) {
    %c0_i32 = arith.constant 0 : i32
    %c0_i32_0 = arith.constant 0 : i32
    %c0_i32_1 = arith.constant 0 : i32
    return %c0_i32, %c0_i32_0 : i32, i32
  }
  func.func @transform_6(%arg0: i32) -> (i32, i32) {
    %c0_i32 = arith.constant 0 : i32
    %c0_i32_0 = arith.constant 0 : i32
    %c0_i32_1 = arith.constant 0 : i32
    return %c0_i32, %c0_i32_0 : i32, i32
  }
  func.func @transform_7(%arg0: i32) -> (i32, i32) {
    %c0_i32 = arith.constant 0 : i32
    %c0_i32_0 = arith.constant 0 : i32
    %c0_i32_1 = arith.constant 0 : i32
    return %c0_i32, %c0_i32_0 : i32, i32
  }
  func.func @transform_8(%arg0: i32) -> (i32, i32) {
    %c0_i32 = arith.constant 0 : i32
    %c0_i32_0 = arith.constant 0 : i32
    %c0_i32_1 = arith.constant 0 : i32
    return %c0_i32, %c0_i32_0 : i32, i32
  }
  func.func @transform_9(%arg0: i32) -> (i32, i32) {
    %c0_i32 = arith.constant 0 : i32
    %c0_i32_0 = arith.constant 0 : i32
    %c0_i32_1 = arith.constant 0 : i32
    return %c0_i32, %c0_i32_0 : i32, i32
  }
  func.func @transform_10(%arg0: i32) -> (i32, i32) {
    %c0_i32 = arith.constant 0 : i32
    %c0_i32_0 = arith.constant 0 : i32
    %c0_i32_1 = arith.constant 0 : i32
    return %c0_i32, %c0_i32_0 : i32, i32
  }
  func.func @transform_11(%arg0: i32) -> (i32, i32) {
    %c0_i32 = arith.constant 0 : i32
    %c0_i32_0 = arith.constant 0 : i32
    %c0_i32_1 = arith.constant 0 : i32
    return %c0_i32, %c0_i32_0 : i32, i32
  }
  func.func @transform_12(%arg0: i32) -> (i32, i32) {
    %c0_i32 = arith.constant 0 : i32
    %c0_i32_0 = arith.constant 0 : i32
    return %arg0, %c0_i32 : i32, i32
  }
  func.func @transform_13(%arg0: i32) -> (i32, i32) {
    %c0_i32 = arith.constant 0 : i32
    %c0_i32_0 = arith.constant 0 : i32
    return %arg0, %c0_i32 : i32, i32
  }
}

module attributes {stable_mosaic.version = 14 : i64} {
  func.func @_node_body(%arg0: i32, %arg1: memref<2x1000x128xf32, #tpu.memory_space<vmem>>, %arg2: memref<1000x128xf32, #tpu.memory_space<vmem>>, %arg3: memref<128x128xf32, #tpu.memory_space<vmem>>, %arg4: memref<1x128xf32, #tpu.memory_space<vmem>>, %arg5: memref<1x128xf32, #tpu.memory_space<vmem>>, %arg6: memref<1x128xf32, #tpu.memory_space<vmem>>, %arg7: memref<1000x128xf32, #tpu.memory_space<vmem>>) attributes {dimension_semantics = [#tpu.dimension_semantics<parallel>], iteration_bounds = array<i64: 10>, scalar_prefetch = 0 : i64, scratch_operands = 0 : i64, tpu.core_type = #tpu.core_type<tc>, window_params = [{transform_indices = @transform_0, window_bounds = array<i64: 2, 1000, 128>}, {transform_indices = @transform_1, window_bounds = array<i64: 1000, 128>}, {pipeline_mode = #tpu.pipeline_mode<synchronous>, transform_indices = @transform_2, window_bounds = array<i64: 128, 128>}, {pipeline_mode = #tpu.pipeline_mode<synchronous>, transform_indices = @transform_3, window_bounds = array<i64: 1, 128>}, {pipeline_mode = #tpu.pipeline_mode<synchronous>, transform_indices = @transform_4, window_bounds = array<i64: 1, 128>}, {pipeline_mode = #tpu.pipeline_mode<synchronous>, transform_indices = @transform_5, window_bounds = array<i64: 1, 128>}, {transform_indices = @transform_6, window_bounds = array<i64: 1000, 128>}]} {
    %get3A = arith.constant 0 : index
    %get3A_0 = arith.constant 0 : index
    %get3A_1 = arith.constant 0 : index
    %get3A_2 = vector.load %arg1[%get3A, %get3A_0, %get3A_1] : memref<2x1000x128xf32, #tpu.memory_space<vmem>>, vector<2x1000x128xf32>
    %slice3A = vector.extract_strided_slice %get3A_2 {offsets = [0, 0, 0], sizes = [1, 1000, 128], strides = [1, 1, 1]} : vector<2x1000x128xf32> to vector<1x1000x128xf32>
    %squeeze3A = vector.shape_cast %slice3A : vector<1x1000x128xf32> to vector<1000x128xf32>
    %slice3A_3 = vector.extract_strided_slice %get3A_2 {offsets = [1, 0, 0], sizes = [1, 1000, 128], strides = [1, 1, 1]} : vector<2x1000x128xf32> to vector<1x1000x128xf32>
    %squeeze3A_4 = vector.shape_cast %slice3A_3 : vector<1x1000x128xf32> to vector<1000x128xf32>
    %add3A = arith.addf %squeeze3A, %squeeze3A_4 : vector<1000x128xf32>
    %reduce_sum3A = arith.constant dense<0.000000e+00> : vector<1000xf32>
    %reduce_sum3A_5 = vector.multi_reduction <add>, %add3A, %reduce_sum3A [1] : vector<1000x128xf32> to vector<1000xf32>
    %broadcast_in_dim3A = vector.shape_cast %reduce_sum3A_5 : vector<1000xf32> to vector<1000x1xf32>
    %div3A = arith.constant 1.280000e+02 : f32
    %div3A_6 = vector.broadcast %div3A : f32 to vector<1000x1xf32>
    %div3A_7 = arith.divf %broadcast_in_dim3A, %div3A_6 : vector<1000x1xf32>
    %sub3A = vector.broadcast %div3A_7 : vector<1000x1xf32> to vector<1000x128xf32>
    %sub3A_8 = arith.subf %add3A, %sub3A : vector<1000x128xf32>
    %mul3A = arith.mulf %sub3A_8, %sub3A_8 : vector<1000x128xf32>
    %reduce_sum3A_9 = arith.constant dense<0.000000e+00> : vector<1000xf32>
    %reduce_sum3A_10 = vector.multi_reduction <add>, %mul3A, %reduce_sum3A_9 [1] : vector<1000x128xf32> to vector<1000xf32>
    %broadcast_in_dim3A_11 = vector.shape_cast %reduce_sum3A_10 : vector<1000xf32> to vector<1000x1xf32>
    %div3A_12 = arith.constant 1.280000e+02 : f32
    %div3A_13 = vector.broadcast %div3A_12 : f32 to vector<1000x1xf32>
    %div3A_14 = arith.divf %broadcast_in_dim3A_11, %div3A_13 : vector<1000x1xf32>
    %add3A_15 = arith.constant 9.99999974E-6 : f32
    %add3A_16 = vector.broadcast %add3A_15 : f32 to vector<1000x1xf32>
    %add3A_17 = arith.addf %div3A_14, %add3A_16 : vector<1000x1xf32>
    %rsqrt3A = math.rsqrt %add3A_17 : vector<1000x1xf32>
    %mul3A_18 = vector.broadcast %rsqrt3A : vector<1000x1xf32> to vector<1000x128xf32>
    %mul3A_19 = arith.mulf %sub3A_8, %mul3A_18 : vector<1000x128xf32>
    %get3A_20 = arith.constant 0 : index
    %get3A_21 = arith.constant 0 : index
    %get3A_22 = vector.load %arg5[%get3A_20, %get3A_21] : memref<1x128xf32, #tpu.memory_space<vmem>>, vector<1x128xf32>
    %mul3A_23 = vector.broadcast %get3A_22 : vector<1x128xf32> to vector<1000x128xf32>
    %mul3A_24 = arith.mulf %mul3A_19, %mul3A_23 : vector<1000x128xf32>
    %get3A_25 = arith.constant 0 : index
    %get3A_26 = arith.constant 0 : index
    %get3A_27 = vector.load %arg6[%get3A_25, %get3A_26] : memref<1x128xf32, #tpu.memory_space<vmem>>, vector<1x128xf32>
    %add3A_28 = vector.broadcast %get3A_27 : vector<1x128xf32> to vector<1000x128xf32>
    %add3A_29 = arith.addf %mul3A_24, %add3A_28 : vector<1000x128xf32>
    %neg3A = arith.constant 0.000000e+00 : f32
    %neg3A_30 = vector.broadcast %neg3A : f32 to vector<1000x128xf32>
    %neg3A_31 = arith.subf %neg3A_30, %add3A_29 : vector<1000x128xf32>
    %exp3A = math.exp %neg3A_31 : vector<1000x128xf32>
    %add3A_32 = arith.constant 1.000000e+00 : f32
    %add3A_33 = vector.broadcast %add3A_32 : f32 to vector<1000x128xf32>
    %add3A_34 = arith.addf %add3A_33, %exp3A : vector<1000x128xf32>
    %div3A_35 = arith.constant 1.000000e+00 : f32
    %div3A_36 = vector.broadcast %div3A_35 : f32 to vector<1000x128xf32>
    %div3A_37 = arith.divf %div3A_36, %add3A_34 : vector<1000x128xf32>
    %mul3A_38 = arith.mulf %add3A_29, %div3A_37 : vector<1000x128xf32>
    %get3A_39 = arith.constant 0 : index
    %get3A_40 = arith.constant 0 : index
    %get3A_41 = vector.load %arg2[%get3A_39, %get3A_40] : memref<1000x128xf32, #tpu.memory_space<vmem>>, vector<1000x128xf32>
    %get3A_42 = arith.constant 0 : index
    %get3A_43 = arith.constant 0 : index
    %get3A_44 = vector.load %arg3[%get3A_42, %get3A_43] : memref<128x128xf32, #tpu.memory_space<vmem>>, vector<128x128xf32>
    %dot_general3A = arith.constant dense<0.000000e+00> : vector<1000x128xf32>
    %dot_general3A_45 = tpu.matmul %get3A_41, %get3A_44, %dot_general3A {dimension_numbers = #tpu.dot_dimension_numbers<[1], [0], [0], [1], [0, 0, 1, 1], [], []>, transpose_lhs_hint = false} : vector<1000x128xf32>, vector<128x128xf32>, vector<1000x128xf32> -> vector<1000x128xf32>
    %get3A_46 = arith.constant 0 : index
    %get3A_47 = arith.constant 0 : index
    %get3A_48 = vector.load %arg4[%get3A_46, %get3A_47] : memref<1x128xf32, #tpu.memory_space<vmem>>, vector<1x128xf32>
    %add3A_49 = vector.broadcast %get3A_48 : vector<1x128xf32> to vector<1000x128xf32>
    %add3A_50 = arith.addf %dot_general3A_45, %add3A_49 : vector<1000x128xf32>
    %add3A_51 = arith.addf %add3A_50, %mul3A_38 : vector<1000x128xf32>
    %swap3A = arith.constant 0 : index
    %swap3A_52 = arith.constant 0 : index
    %swap3A_53 = vector.load %arg7[%swap3A, %swap3A_52] : memref<1000x128xf32, #tpu.memory_space<vmem>>, vector<1000x128xf32>
    tpu.vector_store %arg7[%swap3A, %swap3A_52], %add3A_51 {strides = array<i32>} : memref<1000x128xf32, #tpu.memory_space<vmem>>, vector<1000x128xf32>,
    return
  }
  func.func @transform_0(%arg0: i32) -> (i32, i32, i32) {
    %c0_i32 = arith.constant 0 : i32
    %c0_i32_0 = arith.constant 0 : i32
    %c0_i32_1 = arith.constant 0 : i32
    return %c0_i32, %arg0, %c0_i32_0 : i32, i32, i32
  }
  func.func @transform_1(%arg0: i32) -> (i32, i32) {
    %c0_i32 = arith.constant 0 : i32
    %c0_i32_0 = arith.constant 0 : i32
    return %arg0, %c0_i32 : i32, i32
  }
  func.func @transform_2(%arg0: i32) -> (i32, i32) {
    %c0_i32 = arith.constant 0 : i32
    %c0_i32_0 = arith.constant 0 : i32
    %c0_i32_1 = arith.constant 0 : i32
    return %c0_i32, %c0_i32_0 : i32, i32
  }
  func.func @transform_3(%arg0: i32) -> (i32, i32) {
    %c0_i32 = arith.constant 0 : i32
    %c0_i32_0 = arith.constant 0 : i32
    %c0_i32_1 = arith.constant 0 : i32
    return %c0_i32, %c0_i32_0 : i32, i32
  }
  func.func @transform_4(%arg0: i32) -> (i32, i32) {
    %c0_i32 = arith.constant 0 : i32
    %c0_i32_0 = arith.constant 0 : i32
    %c0_i32_1 = arith.constant 0 : i32
    return %c0_i32, %c0_i32_0 : i32, i32
  }
  func.func @transform_5(%arg0: i32) -> (i32, i32) {
    %c0_i32 = arith.constant 0 : i32
    %c0_i32_0 = arith.constant 0 : i32
    %c0_i32_1 = arith.constant 0 : i32
    return %c0_i32, %c0_i32_0 : i32, i32
  }
  func.func @transform_6(%arg0: i32) -> (i32, i32) {
    %c0_i32 = arith.constant 0 : i32
    %c0_i32_0 = arith.constant 0 : i32
    return %arg0, %c0_i32 : i32, i32
  }
}

</mosaic_0001>

<sc_bundles>
// kernel: kernel.10.cloned.1.call-start
scs
__scs_entry_jumppad:
0x0: {  	(pc) =	sbr.rel $0x88, $3  }
0x1: {  	(tag) =	ssettag $0x0;
	lr =	simm.s32 $0x1  }
0x2: {  	[smem:$0x3F8E] =	sst lr;
	_ =	strace $0xD0000000  }
0x3: {  	_ = 	snop  }
0x4: {  	_ = 	snop  }
0x5: {  	_ = 	snop  }
0x6: {  	_ = 	snop  }
0x7: {  	_ = 	snop  }
__scs_overlays_trampoline_lowered:
0x8: {  	[smem:$0x3F9D] =	sst s0  }
0x9: {  	[smem:$0x3F9E] =	sst s1  }
0xa: {  	[smem:$0x3F9F] =	sst s2  }
0xb: {  	[smem:$0x3FA0] =	sst s3  }
0xc: {  	[smem:$0x3FA1] =	sst s4  }
0xd: {  	[smem:$0x3FA2] =	sst s5  }
0xe: {  	[smem:$0x3FA3] =	sst s6  }
0xf: {  	[smem:$0x3FA4] =	sst s7  }
0x10: {  	[smem:$0x3FA5] =	sst s8  }
0x11: {  	[smem:$0x3FA6] =	sst s9;
	s0 =	simm.s32 @!p0 $0x0  }
0x12: {  	s1 =	sld [smem:$0x3F8C];
	s0 =	simm.s32 @p0 $0x1  }
0x13: {  	[smem:$0x3FA7] =	sst s0;
	s0 =	simm.s32 @!p1 $0x0  }
0x14: {  	s2 =	sld [smem:$0x3F8B];
	s0 =	simm.s32 @p1 $0x1  }
0x15: {  	[smem:$0x3FA8] =	sst s0;
	s0 =	simm.s32 @!p2 $0x0  }
0x16: {  	s3 =	sld [smem:$0x3FDB];
	s0 =	simm.s32 @p2 $0x1  }
0x17: {  	s4 =	simm.s32 $0x1BF5;
	[smem:$0x3FAA] =	sst s0  }
0x18: {  	s0 =	sld [smem:$0x3F8D];
	_ =	swait.ge [sflag:s4], $0x0  }
0x19: {  	s7 =	sld [smem:$0x3F8E]  }
0x1a: {  	s8 =	sadd.s32 $0xFFFFE003, lr  }
0x1b: {  	s9 =	sadd.s32 $0xFFFFFEF7, lr;
	s5 =	simm.s32 $0xFFFFFFFF;
	p2 =	slt.u32 s8, $0xFFFFF086  }
0x1c: {  	p1 =	slt.u32 s9, $0xF7A;
	s5 =	simm.s32 @!p2 $0x0  }
0x1d: {  	s5 =	simm.s32 @p1 $0x1;
	p0 =	seq.s32 s7, s2  }
0x1e: {  	s7 =	smul.u32 @!p0 $0xF7A, s2;
	p2 =	seq.s32 @!p0 s5, $0x0  }
0x1f: {  	s9 =	smul.u32 $0xF7A, s1;
	s8 =	simm.s32 @!p0 $0x1BF5;
	p2 =	por !p2, p0  }
0x20: {  	[sflag:s8] =	ssyncset.s32 @!p0 $0xFFFFF086;
	s6 =	sadd.s32 @!p0 s3, s7;
	s7 =	simm.s32 @!p0 $0x108  }
0x21: {  	s3 =	sadd.s32 s3, s9;
	s6 =	sadd.s32 @!p0 $0x88, s6;
	s7 =	simm.s32 @p2 $0x1082  }
0x22: {  	[simem:s7], [sflag:s8] =	dma.local @!p0 [hbm:s6], $0xF7A  }
0x23: {  	s9 =	sor.u32 $0xD0000000, s2;
	s6 =	simm.s32 $0x108;
	_ =	swait.ge @!p0 [sflag:s8], $0x0  }
0x24: {  	s3 =	sadd.s32 $0x88, s3;
	s6 =	simm.s32 @!p1 $0x1082;
	[sflag:s4] =	ssyncset.s32 $0xFFFFF086  }
0x25: {  	[simem:s6], [sflag:s4] =	dma.local [hbm:s3], $0xF7A  }
0x26: {  	[smem:$0x3F8E] =	sst s1;
	(tag) =	ssettag s2;
	_ =	strace s9  }
0x27: {  	s1 =	sld [smem:$0x3F9E]  }
0x28: {  	s2 =	sld [smem:$0x3F9F]  }
0x29: {  	s4 =	sld [smem:$0x3FA1]  }
0x2a: {  	p0 =	seq.s32 s5, $0x0;
	s5 =	sld [smem:$0x3FA2]  }
0x2b: {  	s6 =	sld [smem:$0x3FA3]  }
0x2c: {  	s7 =	sld [smem:$0x3FA4]  }
0x2d: {  	s3 =	simm.s32 $0x108;
	s8 =	sld [smem:$0x3FA5]  }
0x2e: {  	s3 =	simm.s32 @!p0 $0x1082;
	s9 =	sld [smem:$0x3FA6]  }
0x2f: {  	lr =	sadd.s32 s0, s3;
	s0 =	sld [smem:$0x3F9D]  }
0x30: {  	s3 =	sld [smem:$0x3FA0]  }
0x31: {  	[smem:$0x3FA9] =	sst s10  }
0x32: {  	s10 =	sld [smem:$0x3FA7];
	_ =	sdelay $0x3  }
0x33: {  	p0 =	seq.s32 s10, $0x1;
	s10 =	sld [smem:$0x3FA9];
	_ =	sdelay $0x3  }
0x34: {  	[smem:$0x3FA9] =	sst s10  }
0x35: {  	s10 =	sld [smem:$0x3FA8];
	_ =	sdelay $0x3  }
0x36: {  	p1 =	seq.s32 s10, $0x1;
	s10 =	sld [smem:$0x3FA9];
	_ =	sdelay $0x3  }
0x37: {  	[smem:$0x3FA9] =	sst s10  }
0x38: {  	s10 =	sld [smem:$0x3FAA]  }
0x39: {  	_ = 	snop;
	(pc) =	sbr.ind lr, $3  }
0x3a: {  	_ = 	snop  }
0x3b: {  	_ = 	snop  }
0x3c: {  	p2 =	seq.s32 s10, $0x1;
	s10 =	sld [smem:$0x3FA9]  }
0x3d: {  	_ =	shalt  }
0x3e: {  	_ =	shalt  }
0x3f: {  	_ =	shalt  }
0x40: {  	_ =	shalt  }
0x41: {  	_ =	shalt  }
0x42: {  	_ =	shalt  }
0x43: {  	_ =	shalt  }
0x44: {  	_ =	shalt  }
0x45: {  	_ =	shalt  }
0x46: {  	_ =	shalt  }
0x47: {  	_ =	shalt  }
0x48: {  	_ =	shalt  }
0x49: {  	_ =	shalt  }
0x4a: {  	_ =	shalt  }
0x4b: {  	_ =	shalt  }
0x4c: {  	_ =	shalt  }
0x4d: {  	_ =	shalt  }
0x4e: {  	_ =	shalt  }
0x4f: {  	_ =	shalt  }
0x50: {  	_ =	shalt  }
0x51: {  	_ =	shalt  }
0x52: {  	_ =	shalt  }
0x53: {  	_ =	shalt  }
0x54: {  	_ =	shalt  }
0x55: {  	_ =	shalt  }
0x56: {  	_ =	shalt  }
0x57: {  	_ =	shalt  }
0x58: {  	_ =	shalt  }
0x59: {  	_ =	shalt  }
0x5a: {  	_ =	shalt  }
0x5b: {  	_ =	shalt  }
0x5c: {  	_ =	shalt  }
0x5d: {  	_ =	shalt  }
0x5e: {  	_ =	shalt  }
0x5f: {  	_ =	shalt  }
0x60: {  	_ =	shalt  }
0x61: {  	_ =	shalt  }
0x62: {  	_ =	shalt  }
0x63: {  	_ =	shalt  }
0x64: {  	_ =	shalt  }
0x65: {  	_ =	shalt  }
0x66: {  	_ =	shalt  }
0x67: {  	_ =	shalt  }
0x68: {  	_ =	shalt  }
0x69: {  	_ =	shalt  }
0x6a: {  	_ =	shalt  }
0x6b: {  	_ =	shalt  }
0x6c: {  	_ =	shalt  }
0x6d: {  	_ =	shalt  }
0x6e: {  	_ =	shalt  }
0x6f: {  	_ =	shalt  }
0x70: {  	_ =	shalt  }
0x71: {  	_ =	shalt  }
0x72: {  	_ =	shalt  }
0x73: {  	_ =	shalt  }
0x74: {  	_ =	shalt  }
0x75: {  	_ =	shalt  }
0x76: {  	_ =	shalt  }
0x77: {  	_ =	shalt  }
0x78: {  	_ =	shalt  }
0x79: {  	_ =	shalt  }
0x7a: {  	_ =	shalt  }
0x7b: {  	_ =	shalt  }
0x7c: {  	_ =	shalt  }
0x7d: {  	_ =	shalt  }
0x7e: {  	_ =	shalt  }
0x7f: {  	_ =	shalt  }
0x80: {  	_ =	shalt  }
0x81: {  	_ =	shalt  }
0x82: {  	_ =	shalt  }
0x83: {  	_ =	shalt  }
0x84: {  	_ =	shalt  }
0x85: {  	_ =	shalt  }
0x86: {  	_ =	shalt  }
0x87: {  	_ =	shalt  }
.Lfunc_end0:
.L_simem_size_0:
called_computation.1_lowered:
.L_overlay_start_0:
0x88: {  	s2 =	sld [smem:$0x3FD9]  }
0x89: {  	s3 =	sld [smem:$0x3FFE];
	_ =	sdelay $0x1  }
0x8a: {  	s1 =	srdreg.scid  }
0x8b: {  	s0 =	sand.u32 $0x1, s1  }
0x8c: {  	s14 =	sshll.u32 s0, $0xA;
	s2 =	sadd.s32 s3, s2  }
0x8d: {  	s2 =	sadd.s32 s2, s14  }
0x8e: {  	[smem:$0x3FB5] =	sst s2  }
0x8f: {  	_ = 	snop  }
0x90: {  	s2 =	sld [smem:$0x3FD0];
	_ =	sdelay $0x2  }
0x91: {  	s15 =	simm.s32 $0xA;
	s4 =	simm.s32 $0x10  }
0x92: {  	[smem:s4], [sflag:s15] =	dma.local [hbm:s2], $0x1  }
0x93: {  	_ =	swait.eq [sflag:s15], $0x1  }
0x94: {  	[sflag:s15] =	ssyncset.done $0x0  }
0x95: {  	[sflag:s15] =	ssyncadd.s32 $0xFFFFFFFF  }
0x96: {  	s16 =	sld [smem:$0x10];
	(tm) =	ssettm $0x1  }
0x97: {  	s17 =	sld [smem:$0x3FFB];
	_ =	sdelay $0x3  }
0x98: {  	_ =	strace s17  }
0x99: {  	s3 =	sld [smem:$0x3FFC];
	_ =	sdelay $0x3  }
0x9a: {  	_ =	strace s3  }
0x9b: {  	s3 =	sld [smem:$0x3FFD];
	_ =	sdelay $0x3  }
0x9c: {  	_ =	strace s3  }
0x9d: {  	_ =	strace $0x8FFFFFFF  }
0x9e: {  	s18 =	sld [smem:$0x3FDB];
	_ =	sdelay $0x1  }
0x9f: {  	s19 =	simm.s32 $_scs_section_size  }
0xa0: {  	s5 =	simm.s32 $_size__tile_overlayer_lowered;
	s6 =	simm.s32 $_tile_overlayer_lowered  }
0xa1: {  	s22 =	simm.s32 $0x1BFF;
	s21 =	sshll.u32 s6, $0x1;
	s3 =	sadd.s32 s19, s18  }
0xa2: {  	s7 =	simm.s32 $0x0;
	s20 =	sshll.u32 s5, $0x1;
	s5 =	sadd.s32 s21, s3  }
0xa3: {  	[timem:s7], [sflag:s22] =	dma.local [hbm:s5], s20  }
0xa4: {  	_ =	swait.ge [sflag:s22], s20  }
0xa5: {  	s4 =	ssub.s32 $0x0, s20;
	[sflag:s22] =	ssyncset.done $0x0  }
0xa6: {  	[sflag:s22] =	ssyncadd.s32 s4;
	_ =	sdelay $0x1  }
0xa7: {  	s23 =	simm.s32 $0x1B8B  }
0xa8: {  	_ =	swait.ge [sflag:s23], $0x1  }
0xa9: {  	[sflag:s23] =	ssyncset.done $0x0  }
0xaa: {  	s25 =	simm.s32 $0x1B8E;
	s24 =	sld [smem:$0x3FFE];
	[sflag:s23] =	ssyncadd.s32 $0xFFFFFFFF  }
0xab: {  	s26 =	simm.s32 $execute0_lowered;
	[smem:$0x3FD2] =	sst s25  }
0xac: {  	s5 =	sshll.u32 s26, $0x1;
	_ =	strace $0x80000049;
	[dreg:$0x1] =	wrdreg $0xFFFFFFFF  }
0xad: {  	s28 =	simm.s32 $_size_execute0_lowered;
	s3 =	sadd.s32 s3, s5;
	[dreg:$0x0] =	wrdreg $0x0  }
0xae: {  	s5 =	sshll.u32 s28, $0x1;
	[dreg:$0x2] =	wrdreg s3  }
0xaf: {  	[dreg:$0x3] =	wrdreg s5  }
0xb0: {  	[dreg:$0x4] =	wrdreg $0xC0  }
0xb1: {  	_ =	task [dreg:s7], $0x5FFFF  }
0xb2: {  	[dreg:$0x1] =	wrdreg $0xFFFFFFFF  }
0xb3: {  	[dreg:$0x0] =	wrdreg $0x60  }
0xb4: {  	[dreg:$0x2] =	wrdreg s24  }
0xb5: {  	[dreg:$0x3] =	wrdreg s16  }
0xb6: {  	[dreg:$0x4] =	wrdreg $0x0  }
0xb7: {  	[dreg:$0x5] =	wrdreg $0x9  }
0xb8: {  	_ =	task.clear_ibuf [dreg:s7], $0x6FFFF;
	_ =	strace $0x90000049  }
0xb9: {  	s29 =	simm.s32 $0x9;
	_ =	strace $0x8000004B  }
0xba: {  	_ =	swait.ge [sflag:s29], $0x1  }
0xbb: {  	[sflag:s29] =	ssyncadd.s32 $0xFFFFFFFF  }
0xbc: {  	_ =	strace $0x9000004B  }
0xbd: {  	_ =	sfence  }
0xbe: {  	s30 =	sld [smem:$0x0];
	_ =	sdelay $0x2  }
0xbf: {  	s31 =	sshll.u32 s1, $0xD;
	s1 =	sshrl.u32 s1, $0x2  }
0xc0: {  	s3 =	sand.u32 $0x4000, s31;
	s1 =	sadd.s32 s1, s30  }
0xc1: {  	s0 =	sor.u32 s3, s0;
	s1 =	sshll.u32 s1, $0x11  }
0xc2: {  	s0 =	sor.u32 s1, s0  }
0xc3: {  	s0 =	sadd.s32 $0x8F2B, s0  }
0xc4: {  	[sflag:s0] =	ssyncadd.remote.s32 $0x1  }
0xc5: {  	_ =	sfence.sel $0xFFFF  }
0xc6: {  	[dreg:$0x0] =	wrdreg $0xFFFFFFFF;
	(pc) =	sbr.abs _section_cstart, $3  }
0xc7: {  	[dreg:$0x1] =	wrdreg $0xFFFFFFFF  }
0xc8: {  	_ =	task.clear_ibuf [dreg:s7], $0x2FFFF;
	_ =	strace $0x9FFFFFFF  }
0xc9: {  	(tm) =	ssettm $0x7FFFFFFF  }
tec
execute0_lowered:
.L_overlay_start_1:
0x0: {  	(tag) =	ssettag $0x1  }
0x1: {  	s4 =	rddreg [dreg:$0x0]  }
0x2: {  	s6 =	rddreg [dreg:$0x1]  }
0x3: {  	s2 =	rddreg [dreg:$0x2]  }
0x4: {  	s0 =	rddreg [dreg:$0x3];
	s3 =	simm.s32 $0x0;
	s5 =	srdreg.scid  }
0x5: {  	s1 =	stileid.u32;
	s19 =	simm.s32 $0x1;
	s20 =	simm.s32 $0x50  }
0x6: {  	s21 =	simm.s32 $0x2;
	s22 =	simm.s32 $0x17680;
	[smem:$0x7FF] =	sst s3  }
0x7: {  	s9 =	sand.u32 $0x1, s5;
	s23 =	sshll.u32 s1, $0x1;
	s8 =	smul.u32 $0x4E000, s1  }
0x8: {  	s10 =	sadd.s32 $0xEF0000, s4;
	s12 =	smul.u32 $0x13800, s1;
	s13 =	sadd.s32 $0x12E00, s4  }
0x9: {  	s16 =	sadd.s32 $0x138000, s2;
	s18 =	smul.u32 $0x4E200, s1;
	p0 =	sne.s32 s1, $0xF  }
0xa: {  	s26 =	sshll.u32 s1, $0x6;
	_ =	strace $0x8000004A;
	s17 =	smul.u32 $0x138800, s9  }
0xb: {  	s5 =	sor.u32 s9, s23;
	s11 =	ssub.s32 $0x2, s9;
	s28 =	smul.u32 $0x27100, s9  }
0xc: {  	s23 =	simm.s32 $0x0;
	s7 =	sshll.u32 s5, $0xB;
	s24 =	sshrl.u32 s11, $0x1  }
0xd: {  	s8 =	sshrl.u32 s8, $0x2;
	s25 =	sshrl.u32 s12, $0x3;
	s15 =	smul.u32 $0x27100, s5  }
0xe: {  	s5 =	sor.u32 $0x1C03, s26;
	s7 =	sadd.s32 s7, s4;
	s11 =	ssub.s32 s11, s24  }
0xf: {  	s14 =	sadd.s32 s8, s2;
	s4 =	sadd.s32 s6, s25;
	s6 =	sadd.s32 $0x27000, s6  }
0x10: {  	s12 =	sadd.s32 s12, s17;
	s30 =	sshrl.u32 s17, $0x3;
	s17 =	simm.s32 $0x17880  }
0x11: {  	s7 =	sadd.s32 $0x2E00, s7;
	s8 =	sadd.s32 s10, s15;
	s29 =	sshrl.u32 s12, $0x3  }
0x12: {  	s10 =	sadd.s32 s18, s10;
	s12 =	sadd.s32 s13, s30;
	s11 =	smax.u32 s11, $0x1  }
0x13: {  	s15 =	sshrl.u32 @!p0 s16, $0x3;
	s16 =	simm.s32 $0x13880;
	s18 =	simm.s32 $0x1A080  }
0x14: {  	s9 =	sadd.s32 s13, s29;
	s31 =	sadd.s32 s28, s10;
	s10 =	sadd.s32 $0x27000, s12  }
0x15: {  	s13 =	sshrl.u32 s14, $0x3;
	s14 =	simm.s32 $0x3;
	s12 =	sadd.s32 $0xA00, s31  }
.LBB2_1:
0x16: {  	[spmem:s13], [sflag:s5] =	dma.local [hbm:s4], $0x2700  }
0x17: {  	_ =	swait.ge [sflag:s14], $0x2700  }
0x18: {  	[sflag:s14] =	ssyncset.done $0x0  }
0x19: {  	s24 =	simm.s32 @!p0 $0x3;
	[sflag:s14] =	ssyncadd.s32 $0xFFFFD900  }
0x1a: {  	[spmem:s15], [sflag:s5] =	dma.local @!p0 [hbm:s6], $0x100  }
0x1b: {  	_ =	swait.ge @!p0 [sflag:s24], $0x100  }
0x1c: {  	[sflag:s24] =	ssyncset.done @!p0 $0x0  }
0x1d: {  	[sflag:s24] =	ssyncadd.s32 @!p0 $0xFFFFFF00  }
0x1e: {  	[tilespmem:s16], [sflag:$0x3] =	stream.linear.gather [hbm4b:s7+s3], $0x3E80, $0x38;
	[tilespmem:$0x1C880] =	vst v63  }
0x1f: {  	_ =	swait.ge [sflag:s14], $0x3E80  }
0x20: {  	[sflag:s14] =	ssyncset.done $0x0  }
0x21: {  	[sflag:s14] =	ssyncadd.s32 $0xFFFFC180  }
0x22: {  	[bflag:$0x0] =	sbarrier.arrive $0xFFFF  }
0x23: {  	[tilespmem:s17], [sflag:$0x1] =	stream.linear.gather [hbm4b:s8+s3], $0x2800, $0x38;
	[tilespmem:$0x1C880] =	vst v63  }
0x24: {  	s29 =	sadd.s32 $0xFFFFFB00, s12  }
0x25: {  	[tilespmem:s18], [sflag:$0x2] =	stream.linear.gather [hbm4b:s29+s3], $0x2800, $0x38;
	[tilespmem:$0x1C880] =	vst v63  }
0x26: {  	_ =	swait.ge [sflag:s19], $0x2800  }
0x27: {  	[sflag:s19] =	ssyncset.done $0x0  }
0x28: {  	s30 =	simm.s32 $0x13880;
	[sflag:s19] =	ssyncadd.s32 $0xFFFFD800  }
0x29: {  	[spmem:s2] =	stream.indirect.scatter.add.f32 [tilespmem:s17], [sflag:$0x3], $0x80, s30, s20, $0xb8;
	[tilespmem:$0x1C880] =	vst v63  }
0x2a: {  	_ =	swait.ge [sflag:s14], $0x2800  }
0x2b: {  	[sflag:s14] =	ssyncset.done $0x0  }
0x2c: {  	[sflag:s14] =	ssyncadd.s32 $0xFFFFD800  }
0x2d: {  	[tilespmem:s17], [sflag:$0x1] =	stream.linear.gather [hbm4b:s12+s3], $0x2800, $0x38;
	[tilespmem:$0x1C880] =	vst v63  }
0x2e: {  	_ =	swait.ge [sflag:s21], $0x2800  }
0x2f: {  	[sflag:s21] =	ssyncset.done $0x0  }
0x30: {  	s31 =	simm.s32 $0x13900;
	[sflag:s21] =	ssyncadd.s32 $0xFFFFD800  }
0x31: {  	[spmem:s2] =	stream.indirect.scatter.add.f32 [tilespmem:s18], [sflag:$0x3], $0x80, s31, s20, $0xb8;
	[tilespmem:$0x1C880] =	vst v63  }
0x32: {  	s25 =	simm.s32 $0x400;
	_ =	swait.ge [sflag:s14], $0x2800  }
0x33: {  	s26 =	simm.s32 $0x800;
	s24 =	sadd.s32 $0xA00, s12;
	[sflag:s14] =	ssyncset.done $0x0  }
.LBB2_2:
0x34: {  	p1 =	sne.s32 s26, $0xF400;
	s28 =	sadd.s32 $0xFFFFFB00, s24;
	[sflag:s14] =	ssyncadd.s32 $0xFFFFD800  }
0x35: {  	[tilespmem:s18], [sflag:$0x2] =	stream.linear.gather [hbm4b:s28+s3], $0x2800, $0x38;
	[tilespmem:$0x1C880] =	vst v63  }
0x36: {  	s28 =	smov.u32 s26;
	s26 =	sadd.s32 $0x400, s26;
	_ =	swait.ge [sflag:s19], $0x2800  }
0x37: {  	s29 =	sshra.s32 s25, $0x2;
	s25 =	smov.u32 s28;
	[sflag:s19] =	ssyncset.done $0x0  }
0x38: {  	s28 =	sadd.s32 $0x13880, s29;
	[sflag:s19] =	ssyncadd.s32 $0xFFFFD800  }
0x39: {  	[spmem:s2] =	stream.indirect.scatter.add.f32 [tilespmem:s17], [sflag:$0x3], $0x80, s28, s20, $0xb8;
	[tilespmem:$0x1C880] =	vst v63  }
0x3a: {  	_ =	swait.ge [sflag:s14], $0x2800  }
0x3b: {  	[sflag:s14] =	ssyncset.done $0x0  }
0x3c: {  	[sflag:s14] =	ssyncadd.s32 $0xFFFFD800  }
0x3d: {  	[tilespmem:s17], [sflag:$0x1] =	stream.linear.gather [hbm4b:s24+s3], $0x2800, $0x38;
	[tilespmem:$0x1C880] =	vst v63  }
0x3e: {  	_ =	swait.ge [sflag:s21], $0x2800  }
.Ltmp0:
0x3f: {  	[sflag:s21] =	ssyncset.done $0x0;
	(pc) =	sbr.rel @p1 .LBB2_2-.Ltmp0, $4  }
0x40: {  	s28 =	sadd.s32 $0x13900, s29;
	[sflag:s21] =	ssyncadd.s32 $0xFFFFD800  }
0x41: {  	[spmem:s2] =	stream.indirect.scatter.add.f32 [tilespmem:s18], [sflag:$0x3], $0x80, s28, s20, $0xb8;
	[tilespmem:$0x1C880] =	vst v63  }
0x42: {  	_ =	swait.ge [sflag:s14], $0x2800  }
0x43: {  	s24 =	sadd.s32 $0xA00, s24;
	[sflag:s14] =	ssyncset.done $0x0  }
0x44: {  	s26 =	sadd.s32 $0xFFFFFB00, s24;
	[sflag:s14] =	ssyncadd.s32 $0xFFFFD800  }
0x45: {  	[tilespmem:s18], [sflag:$0x2] =	stream.linear.gather [hbm4b:s26+s3], $0x2800, $0x38;
	[tilespmem:$0x1C880] =	vst v63  }
0x46: {  	_ =	swait.ge [sflag:s19], $0x2800  }
0x47: {  	s25 =	sshra.s32 s25, $0x2;
	[sflag:s19] =	ssyncset.done $0x0  }
0x48: {  	s30 =	sadd.s32 $0x13880, s25;
	[sflag:s19] =	ssyncadd.s32 $0xFFFFD800  }
0x49: {  	[spmem:s2] =	stream.indirect.scatter.add.f32 [tilespmem:s17], [sflag:$0x3], $0x80, s30, s20, $0xb8;
	[tilespmem:$0x1C880] =	vst v63  }
0x4a: {  	_ =	swait.ge [sflag:s14], $0x2800  }
0x4b: {  	[sflag:s14] =	ssyncset.done $0x0  }
0x4c: {  	[sflag:s14] =	ssyncadd.s32 $0xFFFFD800  }
0x4d: {  	[tilespmem:s17], [sflag:$0x1] =	stream.linear.gather [hbm4b:s24+s3], $0x2800, $0x38;
	[tilespmem:$0x1C880] =	vst v63  }
0x4e: {  	_ =	swait.ge [sflag:s21], $0x2800  }
0x4f: {  	[sflag:s21] =	ssyncset.done $0x0  }
0x50: {  	s31 =	sadd.s32 $0x13900, s25;
	[sflag:s21] =	ssyncadd.s32 $0xFFFFD800  }
0x51: {  	[spmem:s2] =	stream.indirect.scatter.add.f32 [tilespmem:s18], [sflag:$0x3], $0x80, s31, s20, $0xb8;
	[tilespmem:$0x1C880] =	vst v63  }
0x52: {  	_ =	swait.ge [sflag:s14], $0x2800  }
0x53: {  	[sflag:s14] =	ssyncset.done $0x0  }
0x54: {  	[sflag:s14] =	ssyncadd.s32 $0xFFFFD800  }
0x55: {  	_ =	swait.ge [sflag:s19], $0x2800  }
0x56: {  	[sflag:s19] =	ssyncset.done $0x0  }
0x57: {  	[sflag:s19] =	ssyncadd.s32 $0xFFFFD800  }
0x58: {  	[spmem:s2] =	stream.indirect.scatter.add.f32 [tilespmem:s17], [sflag:$0x3], $0x80, s22, s20, $0xb8;
	[tilespmem:$0x1C880] =	vst v63  }
0x59: {  	_ =	swait.ge [sflag:s14], $0x2800  }
0x5a: {  	[sflag:s14] =	ssyncset.done $0x0  }
0x5b: {  	[sflag:s14] =	ssyncadd.s32 $0xFFFFD800  }
0x5c: {  	[bflag:$0x0] =	sbarrier.arrive $0xFFFF  }
0x5d: {  	[hbm:s9], [sflag:s5] =	dma.local [spmem:s13], $0x2700  }
0x5e: {  	s23 =	sadd.s32 $0x1, s23;
	_ =	swait.ge [sflag:s14], $0x2700  }
0x5f: {  	p1 =	sne.s32 s23, s11;
	[sflag:s14] =	ssyncset.done $0x0  }
.Ltmp1:
0x60: {  	s24 =	simm.s32 @!p0 $0x3;
	[sflag:s14] =	ssyncadd.s32 $0xFFFFD900;
	(pc) =	sbr.rel @p1 .LBB2_1-.Ltmp1, $4  }
0x61: {  	[hbm:s10], [sflag:s5] =	dma.local @!p0 [spmem:s15], $0x100  }
0x62: {  	_ =	swait.ge @!p0 [sflag:s24], $0x100  }
0x63: {  	[sflag:s24] =	ssyncset.done @!p0 $0x0  }
0x64: {  	[sflag:s24] =	ssyncadd.s32 @!p0 $0xFFFFFF00  }
0x65: {  	_ =	sfence.sel $0x180000  }
0x66: {  	[bflag:$0x0] =	sbarrier.arrive $0xFFFF  }
0x67: {  	p0 =	sne.s32 s1, $0x0;
	_ =	strace $0x9000004A  }
0x68: {  	s0 =	sadd.s32 @!p0 $0x100000, s0;
	[bflag:$0x2] =	sbarrier.arrive $0xFFFF  }
0x69: {  	[sflag:s0] =	ssyncadd.tile.s32 @!p0 $0x1;
	_ =	shalt  }
.Lfunc_end2:
_tile_overlayer_lowered:
.L_overlay_start_2:
0x6a: {  	(tag) =	ssettag $0x2  }
0x6b: {  	s0 =	rddreg [dreg:$0x0];
	s2 =	stileid.u32  }
0x6c: {  	s1 =	rddreg [dreg:$0x1];
	p0 =	sne.s32 s2, $0x0  }
0x6d: {  	s3 =	rddreg [dreg:$0x2];
	[bflag:$0x3] =	sbarrier.arrive $0xFFFF;
	s2 =	simm.s32 @!p0 $0x1C03  }
0x6e: {  	[timem:s3], [sflag:s2] =	dma.local @!p0 [hbm:s0], s1  }
0x6f: {  	s0 =	simm.s32 @!p0 $0x3  }
0x70: {  	_ =	swait.ge @!p0 [sflag:s0], s1  }
0x71: {  	s1 =	ssub.s32 @!p0 $0x0, s1;
	[sflag:s0] =	ssyncset.done @!p0 $0x0  }
0x72: {  	[sflag:s0] =	ssyncadd.s32 @!p0 s1  }
0x73: {  	[bflag:$0x3] =	sbarrier.arrive $0xFFFF  }
0x74: {  	_ =	shalt  }

// kernel: kernel.7.cloned.1.call-start
scs
__scs_entry_jumppad:
0x0: {  	(pc) =	sbr.rel $0x88, $3  }
0x1: {  	(tag) =	ssettag $0x0;
	lr =	simm.s32 $0x1  }
0x2: {  	[smem:$0x3F8E] =	sst lr;
	_ =	strace $0xD0000000  }
0x3: {  	_ = 	snop  }
0x4: {  	_ = 	snop  }
0x5: {  	_ = 	snop  }
0x6: {  	_ = 	snop  }
0x7: {  	_ = 	snop  }
__scs_overlays_trampoline_lowered:
0x8: {  	[smem:$0x3F9D] =	sst s0  }
0x9: {  	[smem:$0x3F9E] =	sst s1  }
0xa: {  	[smem:$0x3F9F] =	sst s2  }
0xb: {  	[smem:$0x3FA0] =	sst s3  }
0xc: {  	[smem:$0x3FA1] =	sst s4  }
0xd: {  	[smem:$0x3FA2] =	sst s5  }
0xe: {  	[smem:$0x3FA3] =	sst s6  }
0xf: {  	[smem:$0x3FA4] =	sst s7  }
0x10: {  	[smem:$0x3FA5] =	sst s8  }
0x11: {  	[smem:$0x3FA6] =	sst s9;
	s0 =	simm.s32 @!p0 $0x0  }
0x12: {  	s1 =	sld [smem:$0x3F8C];
	s0 =	simm.s32 @p0 $0x1  }
0x13: {  	[smem:$0x3FA7] =	sst s0;
	s0 =	simm.s32 @!p1 $0x0  }
0x14: {  	s2 =	sld [smem:$0x3F8B];
	s0 =	simm.s32 @p1 $0x1  }
0x15: {  	[smem:$0x3FA8] =	sst s0;
	s0 =	simm.s32 @!p2 $0x0  }
0x16: {  	s3 =	sld [smem:$0x3FDB];
	s0 =	simm.s32 @p2 $0x1  }
0x17: {  	s4 =	simm.s32 $0x1BF5;
	[smem:$0x3FAA] =	sst s0  }
0x18: {  	s0 =	sld [smem:$0x3F8D];
	_ =	swait.ge [sflag:s4], $0x0  }
0x19: {  	s7 =	sld [smem:$0x3F8E]  }
0x1a: {  	s8 =	sadd.s32 $0xFFFFE003, lr  }
0x1b: {  	s9 =	sadd.s32 $0xFFFFFEF7, lr;
	s5 =	simm.s32 $0xFFFFFFFF;
	p2 =	slt.u32 s8, $0xFFFFF086  }
0x1c: {  	p1 =	slt.u32 s9, $0xF7A;
	s5 =	simm.s32 @!p2 $0x0  }
0x1d: {  	s5 =	simm.s32 @p1 $0x1;
	p0 =	seq.s32 s7, s2  }
0x1e: {  	s7 =	smul.u32 @!p0 $0xF7A, s2;
	p2 =	seq.s32 @!p0 s5, $0x0  }
0x1f: {  	s9 =	smul.u32 $0xF7A, s1;
	s8 =	simm.s32 @!p0 $0x1BF5;
	p2 =	por !p2, p0  }
0x20: {  	[sflag:s8] =	ssyncset.s32 @!p0 $0xFFFFF086;
	s6 =	sadd.s32 @!p0 s3, s7;
	s7 =	simm.s32 @!p0 $0x108  }
0x21: {  	s3 =	sadd.s32 s3, s9;
	s6 =	sadd.s32 @!p0 $0x88, s6;
	s7 =	simm.s32 @p2 $0x1082  }
0x22: {  	[simem:s7], [sflag:s8] =	dma.local @!p0 [hbm:s6], $0xF7A  }
0x23: {  	s9 =	sor.u32 $0xD0000000, s2;
	s6 =	simm.s32 $0x108;
	_ =	swait.ge @!p0 [sflag:s8], $0x0  }
0x24: {  	s3 =	sadd.s32 $0x88, s3;
	s6 =	simm.s32 @!p1 $0x1082;
	[sflag:s4] =	ssyncset.s32 $0xFFFFF086  }
0x25: {  	[simem:s6], [sflag:s4] =	dma.local [hbm:s3], $0xF7A  }
0x26: {  	[smem:$0x3F8E] =	sst s1;
	(tag) =	ssettag s2;
	_ =	strace s9  }
0x27: {  	s1 =	sld [smem:$0x3F9E]  }
0x28: {  	s2 =	sld [smem:$0x3F9F]  }
0x29: {  	s4 =	sld [smem:$0x3FA1]  }
0x2a: {  	p0 =	seq.s32 s5, $0x0;
	s5 =	sld [smem:$0x3FA2]  }
0x2b: {  	s6 =	sld [smem:$0x3FA3]  }
0x2c: {  	s7 =	sld [smem:$0x3FA4]  }
0x2d: {  	s3 =	simm.s32 $0x108;
	s8 =	sld [smem:$0x3FA5]  }
0x2e: {  	s3 =	simm.s32 @!p0 $0x1082;
	s9 =	sld [smem:$0x3FA6]  }
0x2f: {  	lr =	sadd.s32 s0, s3;
	s0 =	sld [smem:$0x3F9D]  }
0x30: {  	s3 =	sld [smem:$0x3FA0]  }
0x31: {  	[smem:$0x3FA9] =	sst s10  }
0x32: {  	s10 =	sld [smem:$0x3FA7];
	_ =	sdelay $0x3  }
0x33: {  	p0 =	seq.s32 s10, $0x1;
	s10 =	sld [smem:$0x3FA9];
	_ =	sdelay $0x3  }
0x34: {  	[smem:$0x3FA9] =	sst s10  }
0x35: {  	s10 =	sld [smem:$0x3FA8];
	_ =	sdelay $0x3  }
0x36: {  	p1 =	seq.s32 s10, $0x1;
	s10 =	sld [smem:$0x3FA9];
	_ =	sdelay $0x3  }
0x37: {  	[smem:$0x3FA9] =	sst s10  }
0x38: {  	s10 =	sld [smem:$0x3FAA]  }
0x39: {  	_ = 	snop;
	(pc) =	sbr.ind lr, $3  }
0x3a: {  	_ = 	snop  }
0x3b: {  	_ = 	snop  }
0x3c: {  	p2 =	seq.s32 s10, $0x1;
	s10 =	sld [smem:$0x3FA9]  }
0x3d: {  	_ =	shalt  }
0x3e: {  	_ =	shalt  }
0x3f: {  	_ =	shalt  }
0x40: {  	_ =	shalt  }
0x41: {  	_ =	shalt  }
0x42: {  	_ =	shalt  }
0x43: {  	_ =	shalt  }
0x44: {  	_ =	shalt  }
0x45: {  	_ =	shalt  }
0x46: {  	_ =	shalt  }
0x47: {  	_ =	shalt  }
0x48: {  	_ =	shalt  }
0x49: {  	_ =	shalt  }
0x4a: {  	_ =	shalt  }
0x4b: {  	_ =	shalt  }
0x4c: {  	_ =	shalt  }
0x4d: {  	_ =	shalt  }
0x4e: {  	_ =	shalt  }
0x4f: {  	_ =	shalt  }
0x50: {  	_ =	shalt  }
0x51: {  	_ =	shalt  }
0x52: {  	_ =	shalt  }
0x53: {  	_ =	shalt  }
0x54: {  	_ =	shalt  }
0x55: {  	_ =	shalt  }
0x56: {  	_ =	shalt  }
0x57: {  	_ =	shalt  }
0x58: {  	_ =	shalt  }
0x59: {  	_ =	shalt  }
0x5a: {  	_ =	shalt  }
0x5b: {  	_ =	shalt  }
0x5c: {  	_ =	shalt  }
0x5d: {  	_ =	shalt  }
0x5e: {  	_ =	shalt  }
0x5f: {  	_ =	shalt  }
0x60: {  	_ =	shalt  }
0x61: {  	_ =	shalt  }
0x62: {  	_ =	shalt  }
0x63: {  	_ =	shalt  }
0x64: {  	_ =	shalt  }
0x65: {  	_ =	shalt  }
0x66: {  	_ =	shalt  }
0x67: {  	_ =	shalt  }
0x68: {  	_ =	shalt  }
0x69: {  	_ =	shalt  }
0x6a: {  	_ =	shalt  }
0x6b: {  	_ =	shalt  }
0x6c: {  	_ =	shalt  }
0x6d: {  	_ =	shalt  }
0x6e: {  	_ =	shalt  }
0x6f: {  	_ =	shalt  }
0x70: {  	_ =	shalt  }
0x71: {  	_ =	shalt  }
0x72: {  	_ =	shalt  }
0x73: {  	_ =	shalt  }
0x74: {  	_ =	shalt  }
0x75: {  	_ =	shalt  }
0x76: {  	_ =	shalt  }
0x77: {  	_ =	shalt  }
0x78: {  	_ =	shalt  }
0x79: {  	_ =	shalt  }
0x7a: {  	_ =	shalt  }
0x7b: {  	_ =	shalt  }
0x7c: {  	_ =	shalt  }
0x7d: {  	_ =	shalt  }
0x7e: {  	_ =	shalt  }
0x7f: {  	_ =	shalt  }
0x80: {  	_ =	shalt  }
0x81: {  	_ =	shalt  }
0x82: {  	_ =	shalt  }
0x83: {  	_ =	shalt  }
0x84: {  	_ =	shalt  }
0x85: {  	_ =	shalt  }
0x86: {  	_ =	shalt  }
0x87: {  	_ =	shalt  }
.Lfunc_end0:
.L_simem_size_0:
called_computation_lowered:
.L_overlay_start_0:
0x88: {  	s2 =	sld [smem:$0x3FD9]  }
0x89: {  	s3 =	sld [smem:$0x3FFE];
	_ =	sdelay $0x1  }
0x8a: {  	s1 =	srdreg.scid  }
0x8b: {  	s0 =	sand.u32 $0x1, s1  }
0x8c: {  	s14 =	sshll.u32 s0, $0xA;
	s2 =	sadd.s32 s3, s2  }
0x8d: {  	s2 =	sadd.s32 s2, s14  }
0x8e: {  	[smem:$0x3FB5] =	sst s2  }
0x8f: {  	_ = 	snop  }
0x90: {  	s2 =	sld [smem:$0x3FD0];
	_ =	sdelay $0x2  }
0x91: {  	s15 =	simm.s32 $0xA;
	s4 =	simm.s32 $0x10  }
0x92: {  	[smem:s4], [sflag:s15] =	dma.local [hbm:s2], $0x1  }
0x93: {  	_ =	swait.eq [sflag:s15], $0x1  }
0x94: {  	[sflag:s15] =	ssyncset.done $0x0  }
0x95: {  	s16 =	sld [smem:$0x10];
	[sflag:s15] =	ssyncadd.s32 $0xFFFFFFFF  }
0x96: {  	s17 =	sld [smem:$0x11];
	(tm) =	ssettm $0x1  }
0x97: {  	s18 =	sld [smem:$0x3FFB];
	_ =	sdelay $0x3  }
0x98: {  	_ =	strace s18  }
0x99: {  	s4 =	sld [smem:$0x3FFC];
	_ =	sdelay $0x3  }
0x9a: {  	_ =	strace s4  }
0x9b: {  	s4 =	sld [smem:$0x3FFD];
	_ =	sdelay $0x3  }
0x9c: {  	_ =	strace s4  }
0x9d: {  	_ =	strace $0x8FFFFFFF  }
0x9e: {  	s19 =	sld [smem:$0x3FDB];
	_ =	sdelay $0x1  }
0x9f: {  	s5 =	simm.s32 $_scs_section_size  }
0xa0: {  	s6 =	simm.s32 $_size__tile_overlayer_lowered;
	s7 =	simm.s32 $_tile_overlayer_lowered  }
0xa1: {  	s22 =	simm.s32 $0x1BFF;
	s21 =	sshll.u32 s7, $0x1;
	s4 =	sadd.s32 s5, s19  }
0xa2: {  	s8 =	simm.s32 $0x0;
	s20 =	sshll.u32 s6, $0x1;
	s6 =	sadd.s32 s21, s4  }
0xa3: {  	[timem:s8], [sflag:s22] =	dma.local [hbm:s6], s20  }
0xa4: {  	_ =	swait.ge [sflag:s22], s20  }
0xa5: {  	s5 =	ssub.s32 $0x0, s20;
	[sflag:s22] =	ssyncset.done $0x0  }
0xa6: {  	[sflag:s22] =	ssyncadd.s32 s5;
	_ =	sdelay $0x1  }
0xa7: {  	s23 =	simm.s32 $0x1B8B  }
0xa8: {  	_ =	swait.ge [sflag:s23], $0x1  }
0xa9: {  	[sflag:s23] =	ssyncset.done $0x0  }
0xaa: {  	s25 =	simm.s32 $0x1B8E;
	s24 =	sld [smem:$0x3FFE];
	[sflag:s23] =	ssyncadd.s32 $0xFFFFFFFF  }
0xab: {  	s26 =	simm.s32 $execute0_lowered;
	[smem:$0x3FD2] =	sst s25  }
0xac: {  	s6 =	sshll.u32 s26, $0x1;
	_ =	strace $0x80000046;
	[dreg:$0x1] =	wrdreg $0xFFFFFFFF  }
0xad: {  	s28 =	simm.s32 $_size_execute0_lowered;
	s4 =	sadd.s32 s4, s6;
	[dreg:$0x0] =	wrdreg $0x0  }
0xae: {  	s6 =	sshll.u32 s28, $0x1;
	[dreg:$0x2] =	wrdreg s4  }
0xaf: {  	[dreg:$0x3] =	wrdreg s6  }
0xb0: {  	[dreg:$0x4] =	wrdreg $0xC0  }
0xb1: {  	_ =	task [dreg:s8], $0x5FFFF  }
0xb2: {  	[dreg:$0x1] =	wrdreg $0xFFFFFFFF  }
0xb3: {  	[dreg:$0x0] =	wrdreg $0x60  }
0xb4: {  	[dreg:$0x2] =	wrdreg s16  }
0xb5: {  	[dreg:$0x3] =	wrdreg s17  }
0xb6: {  	[dreg:$0x4] =	wrdreg s24  }
0xb7: {  	[dreg:$0x5] =	wrdreg $0x9  }
0xb8: {  	_ =	task.clear_ibuf [dreg:s8], $0x6FFFF;
	_ =	strace $0x90000046  }
0xb9: {  	s29 =	simm.s32 $0x9;
	_ =	strace $0x80000048  }
0xba: {  	_ =	swait.ge [sflag:s29], $0x1  }
0xbb: {  	[sflag:s29] =	ssyncadd.s32 $0xFFFFFFFF  }
0xbc: {  	_ =	strace $0x90000048  }
0xbd: {  	_ =	sfence  }
0xbe: {  	s30 =	sld [smem:$0x0];
	_ =	sdelay $0x2  }
0xbf: {  	s31 =	sshll.u32 s1, $0xD;
	s1 =	sshrl.u32 s1, $0x2  }
0xc0: {  	s3 =	sand.u32 $0x4000, s31;
	s1 =	sadd.s32 s1, s30  }
0xc1: {  	s0 =	sor.u32 s3, s0;
	s1 =	sshll.u32 s1, $0x11  }
0xc2: {  	s0 =	sor.u32 s1, s0  }
0xc3: {  	s0 =	sadd.s32 $0x8F2B, s0  }
0xc4: {  	[sflag:s0] =	ssyncadd.remote.s32 $0x1  }
0xc5: {  	_ =	sfence.sel $0xFFFF  }
0xc6: {  	[dreg:$0x0] =	wrdreg $0xFFFFFFFF;
	(pc) =	sbr.abs _section_cstart, $3  }
0xc7: {  	[dreg:$0x1] =	wrdreg $0xFFFFFFFF  }
0xc8: {  	_ =	task.clear_ibuf [dreg:s8], $0x2FFFF;
	_ =	strace $0x9FFFFFFF  }
0xc9: {  	(tm) =	ssettm $0x7FFFFFFF  }
tec
execute0_lowered:
.L_overlay_start_1:
0x0: {  	(tag) =	ssettag $0x1  }
0x1: {  	s1 =	rddreg [dreg:$0x0]  }
0x2: {  	s3 =	rddreg [dreg:$0x1]  }
0x3: {  	s0 =	rddreg [dreg:$0x2]  }
0x4: {  	s2 =	srdreg.scid;
	s14 =	stileid.u32  }
0x5: {  	s4 =	simm.s32 $0x0;
	s16 =	simm.s32 $0x8000;
	s17 =	simm.s32 $0xA800  }
0x6: {  	s18 =	simm.s32 $0xD000;
	s19 =	simm.s32 $0xF800;
	s20 =	simm.s32 $0x12000  }
0x7: {  	s21 =	simm.s32 $0x14800;
	s22 =	simm.s32 $0x1;
	s28 =	simm.s32 $0x6  }
0x8: {  	s29 =	simm.s32 $0x0;
	s2 =	sand.u32 $0x1, s2;
	s5 =	sshll.u32 s14, $0x1  }
0x9: {  	[smem:$0x7FF] =	sst s4;
	s11 =	sadd.s32 $0x4A000, s0;
	s12 =	sadd.s32 $0x52C000, s0  }
0xa: {  	s14 =	smul.u32 $0x4E200, s14;
	s6 =	sor.u32 s2, s5;
	_ =	strace $0x80000047  }
0xb: {  	s5 =	sadd.s32 $0x22E00, s0;
	s8 =	ssub.s32 $0x2, s2;
	s2 =	smul.u32 $0x27100, s2  }
0xc: {  	s7 =	sshll.u32 s6, $0xB;
	s6 =	smul.u32 $0x138800, s6;
	s9 =	sshrl.u32 s8, $0x1  }
0xd: {  	s15 =	sadd.s32 s14, s11;
	s7 =	sadd.s32 s7, s0;
	s0 =	sadd.s32 $0xA0E000, s0  }
0xe: {  	s13 =	ssub.s32 s8, s9;
	s31 =	sadd.s32 s2, s15;
	s15 =	simm.s32 $0x50  }
0xf: {  	s23 =	sshrl.u32 s6, $0x3;
	s24 =	sadd.s32 $0x12E00, s7;
	[dreg:$0x4] =	wrdreg s31  }
0x10: {  	s25 =	sadd.s32 $0x2E00, s7;
	[dreg:$0x6] =	wrdreg s24;
	s10 =	sadd.s32 $0x26C00, s23  }
0x11: {  	[dreg:$0x7] =	wrdreg s25;
	s23 =	simm.s32 $0x2;
	s24 =	simm.s32 $0x3  }
0x12: {  	s25 =	simm.s32 $0x4;
	s26 =	sadd.s32 s11, s10;
	s30 =	sadd.s32 s12, s10  }
0x13: {  	s10 =	sadd.s32 s0, s10;
	s11 =	smax.u32 s13, $0x1;
	s12 =	sadd.s32 s14, s12  }
0x14: {  	s0 =	sadd.s32 s14, s0;
	s13 =	simm.s32 $0x7;
	[dreg:$0x8] =	wrdreg s26  }
0x15: {  	s14 =	simm.s32 $0x4000;
	[dreg:$0x9] =	wrdreg s30;
	s12 =	sadd.s32 s2, s12  }
0x16: {  	s26 =	simm.s32 $0x5;
	[dreg:$0x5] =	wrdreg s12;
	s12 =	sadd.s32 s2, s0  }
.LBB2_1:
0x17: {  	s0 =	rddreg [dreg:$0x6]  }
0x18: {  	[tilespmem:s4], [sflag:$0x7] =	stream.linear.gather [hbm4b:s0+s4], $0x3E80, $0x38;
	[tilespmem:$0x17000] =	vst v63  }
0x19: {  	_ =	swait.ge [sflag:s13], $0x3E80  }
0x1a: {  	[sflag:s13] =	ssyncset.done $0x0  }
0x1b: {  	s6 =	rddreg [dreg:$0x7];
	[sflag:s13] =	ssyncadd.s32 $0xFFFFC180  }
0x1c: {  	[tilespmem:s14], [sflag:$0x7] =	stream.linear.gather [hbm4b:s6+s4], $0x3E80, $0x38;
	[tilespmem:$0x17000] =	vst v63  }
0x1d: {  	_ =	swait.ge [sflag:s13], $0x3E80  }
0x1e: {  	[sflag:s13] =	ssyncset.done $0x0  }
0x1f: {  	[sflag:s13] =	ssyncadd.s32 $0xFFFFC180  }
0x20: {  	[tilespmem:s16], [sflag:$0x1] =	stream.indirect.gather [hbm4b:s1+s15], $0x80, s4, s15, $0xb8;
	[tilespmem:$0x17000] =	vst v63  }
0x21: {  	_ = 	snop  }
0x22: {  	[tilespmem:s17], [sflag:$0x2] =	stream.indirect.gather [hbm4b:s3+s15], $0x80, s14, s15, $0xb8;
	[tilespmem:$0x17000] =	vst v63  }
0x23: {  	_ = 	snop  }
0x24: {  	[tilespmem:s18], [sflag:$0x3] =	stream.indirect.gather [hbm4b:s5+s15], $0x80, s4, s15, $0xb8;
	[tilespmem:$0x17000] =	vst v63  }
0x25: {  	s7 =	simm.s32 $0x80  }
0x26: {  	[tilespmem:s19], [sflag:$0x4] =	stream.indirect.gather [hbm4b:s1+s15], $0x80, s7, s15, $0xb8;
	[tilespmem:$0x17000] =	vst v63  }
0x27: {  	s2 =	simm.s32 $0x4080  }
0x28: {  	[tilespmem:s20], [sflag:$0x5] =	stream.indirect.gather [hbm4b:s3+s15], $0x80, s2, s15, $0xb8;
	[tilespmem:$0x17000] =	vst v63  }
0x29: {  	_ = 	snop  }
0x2a: {  	[tilespmem:s21], [sflag:$0x6] =	stream.indirect.gather [hbm4b:s5+s15], $0x80, s7, s15, $0xb8;
	[tilespmem:$0x17000] =	vst v63  }
0x2b: {  	_ =	swait.ge [sflag:s22], $0x2800  }
0x2c: {  	[sflag:s22] =	ssyncset.done $0x0  }
0x2d: {  	[sflag:s22] =	ssyncadd.s32 $0xFFFFD800  }
0x2e: {  	_ =	swait.ge [sflag:s23], $0x2800  }
0x2f: {  	[sflag:s23] =	ssyncset.done $0x0  }
0x30: {  	[sflag:s23] =	ssyncadd.s32 $0xFFFFD800  }
0x31: {  	_ =	swait.ge [sflag:s24], $0x2800  }
0x32: {  	s8 =	rddreg [dreg:$0x4];
	[sflag:s24] =	ssyncset.done $0x0  }
0x33: {  	[sflag:s24] =	ssyncadd.s32 $0xFFFFD800;
	s9 =	sadd.s32 $0x0, s8  }
0x34: {  	[hbm4b:s9+s4] =	stream.linear.scatter [tilespmem:s16], [sflag:$0x7], $0x2800, $0x38;
	[tilespmem:$0x17000] =	vst v63  }
0x35: {  	_ =	swait.ge [sflag:s13], $0x2800  }
0x36: {  	s7 =	rddreg [dreg:$0x5];
	[sflag:s13] =	ssyncset.done $0x0  }
0x37: {  	[sflag:s13] =	ssyncadd.s32 $0xFFFFD800;
	s30 =	sadd.s32 $0x0, s7  }
0x38: {  	[hbm4b:s30+s4] =	stream.linear.scatter [tilespmem:s17], [sflag:$0x7], $0x2800, $0x38;
	[tilespmem:$0x17000] =	vst v63  }
0x39: {  	_ =	swait.ge [sflag:s13], $0x2800  }
0x3a: {  	[sflag:s13] =	ssyncset.done $0x0  }
0x3b: {  	s31 =	sadd.s32 $0x0, s12;
	[sflag:s13] =	ssyncadd.s32 $0xFFFFD800  }
0x3c: {  	[hbm4b:s31+s4] =	stream.linear.scatter [tilespmem:s18], [sflag:$0x7], $0x2800, $0x38;
	[tilespmem:$0x17000] =	vst v63  }
0x3d: {  	_ =	swait.ge [sflag:s13], $0x2800  }
0x3e: {  	[sflag:s13] =	ssyncset.done $0x0  }
0x3f: {  	s6 =	simm.s32 $0x100;
	[sflag:s13] =	ssyncadd.s32 $0xFFFFD800  }
0x40: {  	[tilespmem:s16], [sflag:$0x1] =	stream.indirect.gather [hbm4b:s1+s15], $0x80, s6, s15, $0xb8;
	[tilespmem:$0x17000] =	vst v63  }
0x41: {  	s0 =	simm.s32 $0x4100  }
0x42: {  	[tilespmem:s17], [sflag:$0x2] =	stream.indirect.gather [hbm4b:s3+s15], $0x80, s0, s15, $0xb8;
	[tilespmem:$0x17000] =	vst v63  }
0x43: {  	_ = 	snop  }
0x44: {  	[tilespmem:s18], [sflag:$0x3] =	stream.indirect.gather [hbm4b:s5+s15], $0x80, s6, s15, $0xb8;
	[tilespmem:$0x17000] =	vst v63  }
0x45: {  	_ =	swait.ge [sflag:s25], $0x2800  }
0x46: {  	[sflag:s25] =	ssyncset.done $0x0  }
0x47: {  	[sflag:s25] =	ssyncadd.s32 $0xFFFFD800  }
0x48: {  	_ =	swait.ge [sflag:s26], $0x2800  }
0x49: {  	[sflag:s26] =	ssyncset.done $0x0  }
0x4a: {  	[sflag:s26] =	ssyncadd.s32 $0xFFFFD800  }
0x4b: {  	_ =	swait.ge [sflag:s28], $0x2800  }
0x4c: {  	[sflag:s28] =	ssyncset.done $0x0  }
0x4d: {  	s2 =	sadd.s32 $0x500, s9;
	[sflag:s28] =	ssyncadd.s32 $0xFFFFD800  }
0x4e: {  	[hbm4b:s2+s4] =	stream.linear.scatter [tilespmem:s19], [sflag:$0x7], $0x2800, $0x38;
	[tilespmem:$0x17000] =	vst v63  }
0x4f: {  	_ =	swait.ge [sflag:s13], $0x2800  }
0x50: {  	[sflag:s13] =	ssyncset.done $0x0  }
0x51: {  	s8 =	sadd.s32 $0x500, s30;
	[sflag:s13] =	ssyncadd.s32 $0xFFFFD800  }
0x52: {  	[hbm4b:s8+s4] =	stream.linear.scatter [tilespmem:s20], [sflag:$0x7], $0x2800, $0x38;
	[tilespmem:$0x17000] =	vst v63  }
0x53: {  	_ =	swait.ge [sflag:s13], $0x2800  }
0x54: {  	[sflag:s13] =	ssyncset.done $0x0  }
0x55: {  	s9 =	sadd.s32 $0x500, s31;
	[sflag:s13] =	ssyncadd.s32 $0xFFFFD800  }
0x56: {  	[hbm4b:s9+s4] =	stream.linear.scatter [tilespmem:s21], [sflag:$0x7], $0x2800, $0x38;
	[tilespmem:$0x17000] =	vst v63  }
0x57: {  	s30 =	simm.s32 $0x200;
	_ =	swait.ge [sflag:s13], $0x2800  }
0x58: {  	s31 =	simm.s32 $0xA00;
	s2 =	simm.s32 $0x1400;
	[sflag:s13] =	ssyncset.done $0x0  }
.LBB2_2:
0x59: {  	s6 =	sadd.s32 $0xFFFFFF80, s30;
	[sflag:s13] =	ssyncadd.s32 $0xFFFFD800;
	s0 =	sadd.s32 $0x100, s0  }
0x5a: {  	[tilespmem:s19], [sflag:$0x4] =	stream.indirect.gather [hbm4b:s1+s15], $0x80, s6, s15, $0xb8;
	[tilespmem:$0x17000] =	vst v63  }
0x5b: {  	s8 =	sadd.s32 $0xFFFFFF80, s0  }
0x5c: {  	[tilespmem:s20], [sflag:$0x5] =	stream.indirect.gather [hbm4b:s3+s15], $0x80, s8, s15, $0xb8;
	[tilespmem:$0x17000] =	vst v63  }
0x5d: {  	_ = 	snop  }
0x5e: {  	[tilespmem:s21], [sflag:$0x6] =	stream.indirect.gather [hbm4b:s5+s15], $0x80, s6, s15, $0xb8;
	[tilespmem:$0x17000] =	vst v63  }
0x5f: {  	_ =	swait.ge [sflag:s22], $0x2800  }
0x60: {  	[sflag:s22] =	ssyncset.done $0x0  }
0x61: {  	[sflag:s22] =	ssyncadd.s32 $0xFFFFD800  }
0x62: {  	_ =	swait.ge [sflag:s23], $0x2800  }
0x63: {  	[sflag:s23] =	ssyncset.done $0x0  }
0x64: {  	[sflag:s23] =	ssyncadd.s32 $0xFFFFD800  }
0x65: {  	_ =	swait.ge [sflag:s24], $0x2800  }
0x66: {  	s8 =	rddreg [dreg:$0x4];
	[sflag:s24] =	ssyncset.done $0x0  }
0x67: {  	[sflag:s24] =	ssyncadd.s32 $0xFFFFD800;
	s6 =	sadd.s32 s31, s8  }
0x68: {  	[hbm4b:s6+s4] =	stream.linear.scatter [tilespmem:s16], [sflag:$0x7], $0x2800, $0x38;
	[tilespmem:$0x17000] =	vst v63  }
0x69: {  	_ =	swait.ge [sflag:s13], $0x2800  }
0x6a: {  	s9 =	rddreg [dreg:$0x5];
	[sflag:s13] =	ssyncset.done $0x0  }
0x6b: {  	[sflag:s13] =	ssyncadd.s32 $0xFFFFD800;
	s8 =	sadd.s32 s31, s9  }
0x6c: {  	[hbm4b:s8+s4] =	stream.linear.scatter [tilespmem:s17], [sflag:$0x7], $0x2800, $0x38;
	[tilespmem:$0x17000] =	vst v63  }
0x6d: {  	_ =	swait.ge [sflag:s13], $0x2800  }
0x6e: {  	[sflag:s13] =	ssyncset.done $0x0  }
0x6f: {  	s9 =	sadd.s32 s31, s12;
	[sflag:s13] =	ssyncadd.s32 $0xFFFFD800  }
0x70: {  	[hbm4b:s9+s4] =	stream.linear.scatter [tilespmem:s18], [sflag:$0x7], $0x2800, $0x38;
	[tilespmem:$0x17000] =	vst v63  }
0x71: {  	_ =	swait.ge [sflag:s13], $0x2800  }
0x72: {  	[sflag:s13] =	ssyncset.done $0x0  }
0x73: {  	[sflag:s13] =	ssyncadd.s32 $0xFFFFD800  }
0x74: {  	[tilespmem:s16], [sflag:$0x1] =	stream.indirect.gather [hbm4b:s1+s15], $0x80, s30, s15, $0xb8;
	[tilespmem:$0x17000] =	vst v63  }
0x75: {  	_ = 	snop  }
0x76: {  	[tilespmem:s17], [sflag:$0x2] =	stream.indirect.gather [hbm4b:s3+s15], $0x80, s0, s15, $0xb8;
	[tilespmem:$0x17000] =	vst v63  }
0x77: {  	_ = 	snop  }
0x78: {  	[tilespmem:s18], [sflag:$0x3] =	stream.indirect.gather [hbm4b:s5+s15], $0x80, s30, s15, $0xb8;
	[tilespmem:$0x17000] =	vst v63  }
0x79: {  	_ =	swait.ge [sflag:s25], $0x2800  }
0x7a: {  	[sflag:s25] =	ssyncset.done $0x0  }
0x7b: {  	[sflag:s25] =	ssyncadd.s32 $0xFFFFD800  }
0x7c: {  	_ =	swait.ge [sflag:s26], $0x2800  }
0x7d: {  	[sflag:s26] =	ssyncset.done $0x0  }
0x7e: {  	[sflag:s26] =	ssyncadd.s32 $0xFFFFD800  }
0x7f: {  	_ =	swait.ge [sflag:s28], $0x2800  }
0x80: {  	[sflag:s28] =	ssyncset.done $0x0  }
0x81: {  	s6 =	sadd.s32 $0x500, s6;
	[sflag:s28] =	ssyncadd.s32 $0xFFFFD800  }
0x82: {  	[hbm4b:s6+s4] =	stream.linear.scatter [tilespmem:s19], [sflag:$0x7], $0x2800, $0x38;
	[tilespmem:$0x17000] =	vst v63  }
0x83: {  	_ =	swait.ge [sflag:s13], $0x2800  }
0x84: {  	[sflag:s13] =	ssyncset.done $0x0  }
0x85: {  	s8 =	sadd.s32 $0x500, s8;
	[sflag:s13] =	ssyncadd.s32 $0xFFFFD800  }
0x86: {  	[hbm4b:s8+s4] =	stream.linear.scatter [tilespmem:s20], [sflag:$0x7], $0x2800, $0x38;
	[tilespmem:$0x17000] =	vst v63  }
0x87: {  	p0 =	sne.s32 s2, $0x26200;
	_ =	swait.ge [sflag:s13], $0x2800  }
.Ltmp0:
0x88: {  	[sflag:s13] =	ssyncset.done $0x0;
	(pc) =	sbr.rel @p0 .LBB2_2-.Ltmp0, $4  }
0x89: {  	s9 =	sadd.s32 $0x500, s9;
	[sflag:s13] =	ssyncadd.s32 $0xFFFFD800  }
0x8a: {  	[hbm4b:s9+s4] =	stream.linear.scatter [tilespmem:s21], [sflag:$0x7], $0x2800, $0x38;
	[tilespmem:$0x17000] =	vst v63  }
0x8b: {  	s7 =	smov.u32 s2;
	s2 =	sadd.s32 $0xA00, s2;
	_ =	swait.ge [sflag:s13], $0x2800  }
0x8c: {  	s31 =	smov.u32 s7;
	s30 =	sadd.s32 $0x100, s30;
	[sflag:s13] =	ssyncset.done $0x0  }
0x8d: {  	s2 =	sadd.s32 $0xFFFFFF80, s30;
	[sflag:s13] =	ssyncadd.s32 $0xFFFFD800;
	s0 =	sadd.s32 $0x100, s0  }
0x8e: {  	[tilespmem:s19], [sflag:$0x4] =	stream.indirect.gather [hbm4b:s1+s15], $0x80, s2, s15, $0xb8;
	[tilespmem:$0x17000] =	vst v63  }
0x8f: {  	s6 =	sadd.s32 $0xFFFFFF80, s0  }
0x90: {  	[tilespmem:s20], [sflag:$0x5] =	stream.indirect.gather [hbm4b:s3+s15], $0x80, s6, s15, $0xb8;
	[tilespmem:$0x17000] =	vst v63  }
0x91: {  	_ = 	snop  }
0x92: {  	[tilespmem:s21], [sflag:$0x6] =	stream.indirect.gather [hbm4b:s5+s15], $0x80, s2, s15, $0xb8;
	[tilespmem:$0x17000] =	vst v63  }
0x93: {  	_ =	swait.ge [sflag:s22], $0x2800  }
0x94: {  	[sflag:s22] =	ssyncset.done $0x0  }
0x95: {  	[sflag:s22] =	ssyncadd.s32 $0xFFFFD800  }
0x96: {  	_ =	swait.ge [sflag:s23], $0x2800  }
0x97: {  	[sflag:s23] =	ssyncset.done $0x0  }
0x98: {  	[sflag:s23] =	ssyncadd.s32 $0xFFFFD800  }
0x99: {  	_ =	swait.ge [sflag:s24], $0x2800  }
0x9a: {  	s8 =	rddreg [dreg:$0x4];
	[sflag:s24] =	ssyncset.done $0x0  }
0x9b: {  	[sflag:s24] =	ssyncadd.s32 $0xFFFFD800;
	s2 =	sadd.s32 s31, s8  }
0x9c: {  	[hbm4b:s2+s4] =	stream.linear.scatter [tilespmem:s16], [sflag:$0x7], $0x2800, $0x38;
	[tilespmem:$0x17000] =	vst v63  }
0x9d: {  	_ =	swait.ge [sflag:s13], $0x2800  }
0x9e: {  	s9 =	rddreg [dreg:$0x5];
	[sflag:s13] =	ssyncset.done $0x0  }
0x9f: {  	[sflag:s13] =	ssyncadd.s32 $0xFFFFD800;
	s6 =	sadd.s32 s31, s9  }
0xa0: {  	[hbm4b:s6+s4] =	stream.linear.scatter [tilespmem:s17], [sflag:$0x7], $0x2800, $0x38;
	[tilespmem:$0x17000] =	vst v63  }
0xa1: {  	_ =	swait.ge [sflag:s13], $0x2800  }
0xa2: {  	[sflag:s13] =	ssyncset.done $0x0  }
0xa3: {  	s7 =	sadd.s32 s31, s12;
	[sflag:s13] =	ssyncadd.s32 $0xFFFFD800  }
0xa4: {  	[hbm4b:s7+s4] =	stream.linear.scatter [tilespmem:s18], [sflag:$0x7], $0x2800, $0x38;
	[tilespmem:$0x17000] =	vst v63  }
0xa5: {  	_ =	swait.ge [sflag:s13], $0x2800  }
0xa6: {  	[sflag:s13] =	ssyncset.done $0x0  }
0xa7: {  	[sflag:s13] =	ssyncadd.s32 $0xFFFFD800  }
0xa8: {  	[tilespmem:s16], [sflag:$0x1] =	stream.indirect.gather [hbm4b:s1+s15], $0x80, s30, s15, $0xb8;
	[tilespmem:$0x17000] =	vst v63  }
0xa9: {  	_ = 	snop  }
0xaa: {  	[tilespmem:s17], [sflag:$0x2] =	stream.indirect.gather [hbm4b:s3+s15], $0x80, s0, s15, $0xb8;
	[tilespmem:$0x17000] =	vst v63  }
0xab: {  	_ = 	snop  }
0xac: {  	[tilespmem:s18], [sflag:$0x3] =	stream.indirect.gather [hbm4b:s5+s15], $0x80, s30, s15, $0xb8;
	[tilespmem:$0x17000] =	vst v63  }
0xad: {  	_ =	swait.ge [sflag:s25], $0x2800  }
0xae: {  	[sflag:s25] =	ssyncset.done $0x0  }
0xaf: {  	[sflag:s25] =	ssyncadd.s32 $0xFFFFD800  }
0xb0: {  	_ =	swait.ge [sflag:s26], $0x2800  }
0xb1: {  	[sflag:s26] =	ssyncset.done $0x0  }
0xb2: {  	[sflag:s26] =	ssyncadd.s32 $0xFFFFD800  }
0xb3: {  	_ =	swait.ge [sflag:s28], $0x2800  }
0xb4: {  	[sflag:s28] =	ssyncset.done $0x0  }
0xb5: {  	s2 =	sadd.s32 $0x500, s2;
	[sflag:s28] =	ssyncadd.s32 $0xFFFFD800  }
0xb6: {  	[hbm4b:s2+s4] =	stream.linear.scatter [tilespmem:s19], [sflag:$0x7], $0x2800, $0x38;
	[tilespmem:$0x17000] =	vst v63  }
0xb7: {  	_ =	swait.ge [sflag:s13], $0x2800  }
0xb8: {  	[sflag:s13] =	ssyncset.done $0x0  }
0xb9: {  	s8 =	sadd.s32 $0x500, s6;
	[sflag:s13] =	ssyncadd.s32 $0xFFFFD800  }
0xba: {  	[hbm4b:s8+s4] =	stream.linear.scatter [tilespmem:s20], [sflag:$0x7], $0x2800, $0x38;
	[tilespmem:$0x17000] =	vst v63  }
0xbb: {  	_ =	swait.ge [sflag:s13], $0x2800  }
0xbc: {  	[sflag:s13] =	ssyncset.done $0x0  }
0xbd: {  	s9 =	sadd.s32 $0x500, s7;
	[sflag:s13] =	ssyncadd.s32 $0xFFFFD800  }
0xbe: {  	[hbm4b:s9+s4] =	stream.linear.scatter [tilespmem:s21], [sflag:$0x7], $0x2800, $0x38;
	[tilespmem:$0x17000] =	vst v63  }
0xbf: {  	_ =	swait.ge [sflag:s13], $0x2800  }
0xc0: {  	[sflag:s13] =	ssyncset.done $0x0  }
0xc1: {  	[sflag:s13] =	ssyncadd.s32 $0xFFFFD800  }
0xc2: {  	_ =	swait.ge [sflag:s22], $0x2800  }
0xc3: {  	[sflag:s22] =	ssyncset.done $0x0  }
0xc4: {  	[sflag:s22] =	ssyncadd.s32 $0xFFFFD800  }
0xc5: {  	_ =	swait.ge [sflag:s23], $0x2800  }
0xc6: {  	[sflag:s23] =	ssyncset.done $0x0  }
0xc7: {  	[sflag:s23] =	ssyncadd.s32 $0xFFFFD800  }
0xc8: {  	_ =	swait.ge [sflag:s24], $0x2800  }
0xc9: {  	[sflag:s24] =	ssyncset.done $0x0  }
0xca: {  	s30 =	rddreg [dreg:$0x8];
	[sflag:s24] =	ssyncadd.s32 $0xFFFFD800  }
0xcb: {  	[hbm4b:s30+s4] =	stream.linear.scatter [tilespmem:s16], [sflag:$0x7], $0x2800, $0x38;
	[tilespmem:$0x17000] =	vst v63  }
0xcc: {  	_ =	swait.ge [sflag:s13], $0x2800  }
0xcd: {  	[sflag:s13] =	ssyncset.done $0x0  }
0xce: {  	s31 =	rddreg [dreg:$0x9];
	[sflag:s13] =	ssyncadd.s32 $0xFFFFD800  }
0xcf: {  	[hbm4b:s31+s4] =	stream.linear.scatter [tilespmem:s17], [sflag:$0x7], $0x2800, $0x38;
	[tilespmem:$0x17000] =	vst v63  }
0xd0: {  	s29 =	sadd.s32 $0x1, s29;
	_ =	swait.ge [sflag:s13], $0x2800  }
0xd1: {  	p0 =	sne.s32 s29, s11;
	[sflag:s13] =	ssyncset.done $0x0  }
.Ltmp1:
0xd2: {  	[sflag:s13] =	ssyncadd.s32 $0xFFFFD800;
	(pc) =	sbr.rel @p0 .LBB2_1-.Ltmp1, $4  }
0xd3: {  	[hbm4b:s10+s4] =	stream.linear.scatter [tilespmem:s18], [sflag:$0x7], $0x2800, $0x38;
	[tilespmem:$0x17000] =	vst v63  }
0xd4: {  	_ =	swait.ge [sflag:s13], $0x2800  }
0xd5: {  	[sflag:s13] =	ssyncset.done $0x0  }
0xd6: {  	[sflag:s13] =	ssyncadd.s32 $0xFFFFD800  }
0xd7: {  	_ =	sfence.sel $0x180000  }
0xd8: {  	[bflag:$0x0] =	sbarrier.arrive $0xFFFF  }
0xd9: {  	_ =	strace $0x90000047  }
0xda: {  	s0 =	stileid.u32;
	[bflag:$0x2] =	sbarrier.arrive $0xFFFF  }
0xdb: {  	p0 =	sne.s32 s0, $0x0;
	s0 =	rddreg [dreg:$0x3]  }
0xdc: {  	s0 =	sadd.s32 @!p0 $0x100000, s0  }
0xdd: {  	[sflag:s0] =	ssyncadd.tile.s32 @!p0 $0x1;
	_ =	shalt  }
.Lfunc_end2:
_tile_overlayer_lowered:
.L_overlay_start_2:
0xde: {  	(tag) =	ssettag $0x2  }
0xdf: {  	s0 =	rddreg [dreg:$0x0];
	s2 =	stileid.u32  }
0xe0: {  	s1 =	rddreg [dreg:$0x1];
	p0 =	sne.s32 s2, $0x0  }
0xe1: {  	s3 =	rddreg [dreg:$0x2];
	[bflag:$0x3] =	sbarrier.arrive $0xFFFF;
	s2 =	simm.s32 @!p0 $0x1C07  }
0xe2: {  	[timem:s3], [sflag:s2] =	dma.local @!p0 [hbm:s0], s1  }
0xe3: {  	s0 =	simm.s32 @!p0 $0x7  }
0xe4: {  	_ =	swait.ge @!p0 [sflag:s0], s1  }
0xe5: {  	s1 =	ssub.s32 @!p0 $0x0, s1;
	[sflag:s0] =	ssyncset.done @!p0 $0x0  }
0xe6: {  	[sflag:s0] =	ssyncadd.s32 @!p0 s1  }
0xe7: {  	[bflag:$0x3] =	sbarrier.arrive $0xFFFF  }
0xe8: {  	_ =	shalt  }

</sc_bundles>
